<compile_context>
chip_gen: v7x
topology: tpu7x:2x2x1
jax: 0.10.2.dev20260603
libtpu: 0.0.44.dev20260713+nightly
codegen_flags: <defaults>
</compile_context>

<pallas_src>
import functools

import jax
import jax.numpy as jnp
from jax import lax
from jax.experimental import pallas as pl
from jax.experimental.pallas import tpu as pltpu
from jax.experimental.pallas import tpu_sc as plsc

F32 = jnp.float32
I32 = jnp.int32

HIDDEN = 128
N_NODES = 10000
N_EDGES = 320000
NUM_LAYERS = 4
NPAD = 10240
NC, NS, LANES = 2, 16, 16
NW = NC * NS
EPW = N_EDGES // NW
TRASH0 = NPAD
OUT2_ROWS = NPAD + NW
NEG = -3.0e38

GE = 80
NGROUPS = EPW // GE
CH = 400
NCHUNK = EPW // CH
OUTCAP = 128
NBND = 2 * NW

_mesh = plsc.VectorSubcoreMesh(core_axis_name="c", subcore_axis_name="s",
                               num_cores=NC, num_subcores=NS)


def _wid():
  return lax.axis_index("s") * NC + lax.axis_index("c")



def _node_body(h1_ref, h2_ref, w1_ref, b1_ref, w2_ref, b2_ref,
               a_ref, b_ref, s_ref):
  h = jnp.maximum(h1_ref[...], h2_ref[...])
  wtop = w1_ref[:HIDDEN, :]
  wbot = w1_ref[HIDDEN:, :]
  t = jnp.dot(h, wtop, preferred_element_type=F32, precision=lax.Precision.HIGHEST)
  bv = jnp.dot(h, wbot, preferred_element_type=F32, precision=lax.Precision.HIGHEST)
  a_ref[...] = t - bv + b1_ref[...]
  b_ref[...] = bv
  s_ref[...] = jnp.dot(jnp.maximum(t + b1_ref[...], 0.0), w2_ref[...],
                       preferred_element_type=F32, precision=lax.Precision.HIGHEST) + b2_ref[...]


def _node_tc(h1, h2, w1l, b1l, w2l, b2l):
  blk = 256
  return pl.pallas_call(
      _node_body,
      grid=(NPAD // blk,),
      in_specs=[
          pl.BlockSpec((blk, HIDDEN), lambda i: (i, 0)),
          pl.BlockSpec((blk, HIDDEN), lambda i: (i, 0)),
          pl.BlockSpec((2 * HIDDEN, HIDDEN), lambda i: (0, 0)),
          pl.BlockSpec((1, HIDDEN), lambda i: (0, 0)),
          pl.BlockSpec((HIDDEN, HIDDEN), lambda i: (0, 0)),
          pl.BlockSpec((1, HIDDEN), lambda i: (0, 0)),
      ],
      out_specs=[
          pl.BlockSpec((blk, HIDDEN), lambda i: (i, 0)),
          pl.BlockSpec((blk, HIDDEN), lambda i: (i, 0)),
          pl.BlockSpec((blk, HIDDEN), lambda i: (i, 0)),
      ],
      out_shape=[jax.ShapeDtypeStruct((NPAD, HIDDEN), F32)] * 3,
  )(h1, h2, w1l, b1l, w2l, b2l)


def _edge_mm_body(p_ref, w2_ref, b2_ref, m_ref):
  m_ref[...] = jnp.dot(p_ref[...], w2_ref[...],
                       preferred_element_type=F32, precision=lax.Precision.HIGHEST) + b2_ref[...]


def _edge_mm_tc(p, w2l, b2l):
  blk = 512
  return pl.pallas_call(
      _edge_mm_body,
      grid=(N_EDGES // blk,),
      in_specs=[
          pl.BlockSpec((blk, HIDDEN), lambda i: (i, 0)),
          pl.BlockSpec((HIDDEN, HIDDEN), lambda i: (0, 0)),
          pl.BlockSpec((1, HIDDEN), lambda i: (0, 0)),
      ],
      out_specs=pl.BlockSpec((blk, HIDDEN), lambda i: (i, 0)),
      out_shape=jax.ShapeDtypeStruct((N_EDGES, HIDDEN), F32),
  )(p, w2l, b2l)


def _final_body(h1_ref, h2_ref, wfc_ref, bfc_ref, o_ref):
  h = jnp.maximum(h1_ref[...], h2_ref[...])
  o_ref[...] = jnp.dot(h, wfc_ref[...], preferred_element_type=F32, precision=lax.Precision.HIGHEST) \
      + bfc_ref[...]


def _final_tc(h1, h2, wfc, bfc):
  blk = 256
  return pl.pallas_call(
      _final_body,
      grid=(NPAD // blk,),
      in_specs=[
          pl.BlockSpec((blk, HIDDEN), lambda i: (i, 0)),
          pl.BlockSpec((blk, HIDDEN), lambda i: (i, 0)),
          pl.BlockSpec((HIDDEN, HIDDEN), lambda i: (0, 0)),
          pl.BlockSpec((1, HIDDEN), lambda i: (0, 0)),
      ],
      out_specs=pl.BlockSpec((blk, HIDDEN), lambda i: (i, 0)),
      out_shape=jax.ShapeDtypeStruct((NPAD, HIDDEN), F32),
  )(h1, h2, wfc, bfc)



def _gather_body(a_hbm, b_hbm, dst_hbm, src_hbm, p_hbm,
                 dstv, srcv, bufa, bufb, sga, sgb):
  wid = _wid()

  def group_serial(i, _):
    base = wid * EPW + i * GE
    pltpu.sync_copy(dst_hbm.at[pl.ds(base, GE)], dstv.at[0])
    pltpu.sync_copy(src_hbm.at[pl.ds(base, GE)], srcv.at[0])
    ca = pltpu.async_copy(a_hbm.at[dstv.at[0]], bufa.at[0], sga)
    cb = pltpu.async_copy(b_hbm.at[srcv.at[0]], bufb.at[0], sgb)
    ca.wait()
    cb.wait()

    def row(r, _):
      for g in range(HIDDEN // LANES):
        cs = pl.ds(g * LANES, LANES)
        bufa[0, r, cs] = jnp.maximum(bufa[0, r, cs] + bufb[0, r, cs], 0.0)
      return 0

    lax.fori_loop(0, GE, row, 0)
    pltpu.sync_copy(bufa.at[0], p_hbm.at[pl.ds(wid * EPW + i * GE, GE)])
    return 0

  lax.fori_loop(0, NGROUPS, group_serial, 0)


@functools.partial(
    pl.kernel,
    compiler_params=pltpu.CompilerParams(needs_layout_passes=False),
    out_type=jax.ShapeDtypeStruct((N_EDGES, HIDDEN), F32),
    mesh=_mesh,
    scratch_types=[
        pltpu.VMEM((2, GE), I32),
        pltpu.VMEM((2, GE), I32),
        pltpu.VMEM((2, GE, HIDDEN), F32),
        pltpu.VMEM((2, GE, HIDDEN), F32),
        pltpu.SemaphoreType.DMA,
        pltpu.SemaphoreType.DMA,
    ],
)
def _gather_sc(a_hbm, b_hbm, dst_hbm, src_hbm, p_hbm,
               dstv, srcv, bufa, bufb, sga, sgb):
  _gather_body(a_hbm, b_hbm, dst_hbm, src_hbm, p_hbm,
               dstv, srcv, bufa, bufb, sga, sgb)



def _segmax_body(m_hbm, dst_hbm, out2, bndv, bndd,
                 mbuf, dstbuf, olist, dlist, bloc, bdloc, sem):
  wid = _wid()
  trash = TRASH0 + wid
  iota = lax.iota(I32, LANES)
  lane0 = iota == 0
  trash_v = jnp.full((LANES,), 0, I32) + trash
  negs = jnp.full((LANES,), NEG, F32)
  NG = HIDDEN // LANES

  for q in range(OUTCAP // LANES):
    dlist[pl.ds(q * LANES, LANES)] = trash_v
  for g in range(NG):
    bloc[0, pl.ds(g * LANES, LANES)] = negs
    bloc[1, pl.ds(g * LANES, LANES)] = negs

  zeros = jnp.full((LANES,), 0, I32)

  def chunk(k, carry):
    base = wid * EPW + k * CH
    pltpu.sync_copy(m_hbm.at[pl.ds(base, CH)], mbuf)
    pltpu.sync_copy(dst_hbm.at[pl.ds(base, CH)], dstbuf)
    d0 = plsc.load_gather(dstbuf, [zeros])
    carry = carry[:NG] + (jnp.where(k == 0, d0, carry[NG]),) + carry[NG + 1:]

    def edge(e, c):
      acc = c[0:NG]
      prevd, slot, crossed = c[NG], c[NG + 1], c[NG + 2]
      ev = jnp.full((LANES,), 0, I32) + e
      d = plsc.load_gather(dstbuf, [ev])
      mrow = [plsc.load_gather(mbuf, [ev, g * LANES + iota])
              for g in range(NG)]
      samev = d == prevd
      same = jnp.all(samev)
      is_flush = jnp.logical_not(same)

      @pl.when(jnp.logical_and(is_flush, crossed == 0))
      def _():
        for g in range(NG):
          bloc[0, pl.ds(g * LANES, LANES)] = acc[g]
        bdloc[0, pl.ds(0, LANES)] = prevd

      @pl.when(jnp.logical_and(is_flush, crossed != 0))
      def _():
        sv = jnp.full((LANES,), 0, I32) + slot
        for g in range(NG):
          plsc.store_scatter(olist, [sv, g * LANES + iota], acc[g])
        plsc.store_scatter(dlist, [sv], prevd, mask=lane0)

      wrote = jnp.logical_and(is_flush, crossed != 0)
      slot2 = slot + wrote.astype(I32)
      need_drain = slot2 >= OUTCAP

      @pl.when(need_drain)
      def _():
        pltpu.async_copy(olist, out2.at[dlist], sem).wait()
        for q in range(OUTCAP // LANES):
          dlist[pl.ds(q * LANES, LANES)] = trash_v

      new_slot = jnp.where(need_drain, 0, slot2)
      new_crossed = jnp.where(is_flush, 1, crossed)
      nacc = [jnp.where(samev, jnp.maximum(acc[g], mrow[g]), mrow[g])
              for g in range(NG)]
      return tuple(nacc) + (d, new_slot, new_crossed)

    return lax.fori_loop(0, CH, edge, carry)

  init = tuple([negs] * NG) + (zeros, jnp.asarray(0, I32), jnp.asarray(0, I32))
  fin = lax.fori_loop(0, NCHUNK, chunk, init)
  acc = fin[0:NG]
  prevd, crossed = fin[NG], fin[NG + 2]

  pltpu.async_copy(olist, out2.at[dlist], sem).wait()
  for g in range(NG):
    bloc[1, pl.ds(g * LANES, LANES)] = acc[g]
  bdloc[1, pl.ds(0, LANES)] = prevd

  @pl.when(crossed == 0)
  def _():
    bdloc[0, pl.ds(0, LANES)] = prevd

  pltpu.sync_copy(bloc, bndv.at[pl.ds(2 * wid, 2)])
  pltpu.sync_copy(bdloc, bndd.at[pl.ds(2 * wid, 2)])


@functools.partial(
    pl.kernel,
    compiler_params=pltpu.CompilerParams(needs_layout_passes=False),
    out_type=(jax.ShapeDtypeStruct((NBND, HIDDEN), F32),
              jax.ShapeDtypeStruct((NBND, LANES), I32)),
    mesh=_mesh,
    scratch_types=[
        pltpu.VMEM((CH, HIDDEN), F32),
        pltpu.VMEM((CH,), I32),
        pltpu.VMEM((OUTCAP, HIDDEN), F32),
        pltpu.VMEM((OUTCAP,), I32),
        pltpu.VMEM((2, HIDDEN), F32),
        pltpu.VMEM((2, LANES), I32),
        pltpu.SemaphoreType.DMA,
    ],
)
def _segmax_sc(m_hbm, dst_hbm, out2, bndv, bndd,
               mbuf, dstbuf, olist, dlist, bloc, bdloc, sem):
  _segmax_body(m_hbm, dst_hbm, out2, bndv, bndd,
               mbuf, dstbuf, olist, dlist, bloc, bdloc, sem)



def _bndpre_body(bv_ref, bd_ref, ov_ref, oi_ref):
  v = bv_ref[...]
  d = bd_ref[...]
  s = 1
  while s < NBND:
    vn = jnp.concatenate([v[s:], jnp.full((s, HIDDEN), NEG, F32)], axis=0)
    dn = jnp.concatenate([d[s:], jnp.full((s, LANES), -1, I32)], axis=0)
    m = dn[:, :1] == d[:, :1]
    v = jnp.where(m, jnp.maximum(v, vn), v)
    s *= 2
  dp = jnp.concatenate([jnp.full((1, LANES), -1, I32), d[:-1]], axis=0)
  first = d != dp
  tgt = jnp.where(first, d, TRASH0)
  ov_ref[...] = jnp.concatenate(
      [v, jnp.full((2 * NBND - NBND, HIDDEN), NEG, F32)], axis=0)
  oi_ref[...] = jnp.concatenate(
      [tgt, jnp.full((2 * NBND - NBND, LANES), TRASH0, I32)], axis=0)


def _bndpre_tc(bndv, bndd):
  return pl.pallas_call(
      _bndpre_body,
      grid=(1,),
      in_specs=[
          pl.BlockSpec((NBND, HIDDEN), lambda i: (0, 0)),
          pl.BlockSpec((NBND, LANES), lambda i: (0, 0)),
      ],
      out_specs=[
          pl.BlockSpec((2 * NBND, HIDDEN), lambda i: (0, 0)),
          pl.BlockSpec((2 * NBND, LANES), lambda i: (0, 0)),
      ],
      out_shape=[jax.ShapeDtypeStruct((2 * NBND, HIDDEN), F32),
                 jax.ShapeDtypeStruct((2 * NBND, LANES), I32)],
  )(bndv, bndd)


def _bscat_body(ov_hbm, oi_hbm, out2, rows_v, oibuf, idx1d, oldrows, sem):
  wid = _wid()

  @pl.when(wid == 0)
  def _():
    pltpu.sync_copy(ov_hbm, rows_v)
    pltpu.sync_copy(oi_hbm, oibuf)
    iota = lax.iota(I32, LANES)
    zeros = jnp.full((LANES,), 0, I32)
    for q in range(2 * NBND // LANES):
      vals = plsc.load_gather(oibuf, [q * LANES + iota, zeros])
      idx1d[pl.ds(q * LANES, LANES)] = vals
    pltpu.async_copy(out2.at[idx1d], oldrows, sem).wait()

    def row(r, _):
      rv = jnp.full((LANES,), 0, I32) + r
      for g in range(HIDDEN // LANES):
        off = g * LANES + iota
        nv = jnp.maximum(plsc.load_gather(rows_v, [rv, off]),
                         plsc.load_gather(oldrows, [rv, off]))
        plsc.store_scatter(rows_v, [rv, off], nv)
      return 0

    lax.fori_loop(0, 2 * NBND, row, 0)
    pltpu.async_copy(rows_v, out2.at[idx1d], sem).wait()


@functools.partial(
    pl.kernel,
    compiler_params=pltpu.CompilerParams(needs_layout_passes=False),
    out_type=(),
    mesh=_mesh,
    scratch_types=[
        pltpu.VMEM((2 * NBND, HIDDEN), F32),
        pltpu.VMEM((2 * NBND, LANES), I32),
        pltpu.VMEM((2 * NBND,), I32),
        pltpu.VMEM((2 * NBND, HIDDEN), F32),
        pltpu.SemaphoreType.DMA,
    ],
)
def _bscat_sc(ov_hbm, oi_hbm, out2, rows_v, oibuf, idx1d, oldrows, sem):
  _bscat_body(ov_hbm, oi_hbm, out2, rows_v, oibuf, idx1d, oldrows, sem)



def kernel(x, edge_index, W1, b1, W2, b2, Wfc, bfc):
  src = edge_index[0].astype(I32)
  dst = edge_index[1].astype(I32)
  key = jnp.sort(dst * 16384 + src)
  dst_s = key >> 14
  src_s = key & 16383

  h0 = jnp.pad(x, ((0, NPAD - N_NODES), (0, 0)))
  neg_init = jnp.full((OUT2_ROWS, HIDDEN), NEG, F32)

  def layer(carry, ws):
    h1, h2 = carry
    w1l, b1l, w2l, b2l = ws
    a, bv, s = _node_tc(h1, h2, w1l, b1l, w2l, b2l)
    p = _gather_sc(a, bv, dst_s, src_s)
    m = _edge_mm_tc(p, w2l, b2l)
    out2 = jax.new_ref(neg_init)
    bndv, bndd = _segmax_sc(m, dst_s, out2)
    ov, oi = _bndpre_tc(bndv, bndd)
    _bscat_sc(ov, oi, out2)
    return (out2[...][:NPAD], s), 0.0

  ws = (W1, b1.reshape(NUM_LAYERS, 1, HIDDEN), W2,
        b2.reshape(NUM_LAYERS, 1, HIDDEN))
  (h1, h2), _ = lax.scan(layer, (h0, h0), ws)
  out = _final_tc(h1, h2, Wfc, bfc.reshape(1, HIDDEN))
  return out[:N_NODES]

# --- scband reference (transcript-rebuilt; emitter-appended) ---
"""Pipeline reference for scband-diffusion-decoder-8340826488878 (READ-ONLY COPY).

The authoritative reference and input builder live on the scoring server;
editing this copy changes nothing except your own understanding.
"""

import jax, jax.numpy as jnp
import numpy as np

HIDDEN = 128
NODE_DIM = 128
NUM_LAYERS = 4
N_NODES = 10000
N_EDGES = 320000


def setup_inputs(seed: int = 0) -> dict:
    key = jax.random.key(seed)
    ks = jax.random.split(key, 4 + 4 * NUM_LAYERS)
    x = jax.random.normal(ks[0], (N_NODES, HIDDEN), dtype=jnp.float32)
    edge_index = jax.random.randint(ks[1], (2, N_EDGES), 0, N_NODES).astype(jnp.int64)
    W1 = jax.random.normal(ks[2], (NUM_LAYERS, 2 * HIDDEN, HIDDEN), dtype=jnp.float32) * 0.02
    b1 = jnp.zeros((NUM_LAYERS, HIDDEN), dtype=jnp.float32)
    W2 = jax.random.normal(ks[3], (NUM_LAYERS, HIDDEN, HIDDEN), dtype=jnp.float32) * 0.02
    b2 = jnp.zeros((NUM_LAYERS, HIDDEN), dtype=jnp.float32)
    Wfc = jax.random.normal(ks[4], (HIDDEN, NODE_DIM), dtype=jnp.float32) * 0.02
    bfc = jnp.zeros((NODE_DIM,), dtype=jnp.float32)
    return {"x": x, "edge_index": edge_index, "W1": W1, "b1": b1, "W2": W2, "b2": b2, "Wfc": Wfc, "bfc": bfc}


def _edgeconv(x, edge_index, W1, b1, W2, b2):
    N = x.shape[0]
    loops = jnp.arange(N, dtype=edge_index.dtype)
    src = jnp.concatenate([edge_index[0], loops])
    dst = jnp.concatenate([edge_index[1], loops])
    x_i = jnp.take(x, dst, axis=0)
    x_j = jnp.take(x, src, axis=0)
    tmp = jnp.concatenate([x_i, x_j - x_i], axis=1)
    msg = jax.nn.relu(tmp @ W1 + b1) @ W2 + b2
    return jax.ops.segment_max(msg, dst, num_segments=N)


def reference(x, edge_index, W1, b1, W2, b2, Wfc, bfc):
    h = x
    for l in range(NUM_LAYERS):
        h = _edgeconv(h, edge_index, W1[l], b1[l], W2[l], b2[l])
    return h @ Wfc + bfc

if __name__ == "__main__":
    import jax
    _d = setup_inputs()
    print(jax.jit(kernel)(*tuple(_d.values())))

</pallas_src>

<mosaic_0001>
#map = affine_map<(d0, d1) -> (0, 0)>
#map1 = affine_map<(d0, d1) -> (0)>
module attributes {stable_mosaic.version = 14 : i64} {
  func.func @_gather_sc(%arg0: i32, %arg1: i32, %arg2: memref<10240x128xf32, #tpu.memory_space<hbm>>, %arg3: memref<10240x128xf32, #tpu.memory_space<hbm>>, %arg4: memref<320000xi32, #tpu.memory_space<hbm>>, %arg5: memref<320000xi32, #tpu.memory_space<hbm>>, %arg6: memref<320000x128xf32, #tpu.memory_space<hbm>>, %arg7: memref<2x80xi32, #tpu.memory_space<vmem>>, %arg8: memref<2x80xi32, #tpu.memory_space<vmem>>, %arg9: memref<2x80x128xf32, #tpu.memory_space<vmem>>, %arg10: memref<2x80x128xf32, #tpu.memory_space<vmem>>, %arg11: memref<!tpu.dma_semaphore, #tpu.memory_space<semaphore_mem>>, %arg12: memref<!tpu.dma_semaphore, #tpu.memory_space<semaphore_mem>>) attributes {dimension_semantics = [#tpu.dimension_semantics<core_parallel>, #tpu.dimension_semantics<subcore_parallel>], iteration_bounds = array<i64: 2, 16>, scalar_prefetch = 0 : i64, scratch_operands = 6 : i64, tpu.core_type = #tpu.core_type<sc_vector_subcore>, window_params = [{transform_indices = #map}, {transform_indices = #map}, {transform_indices = #map1}, {transform_indices = #map1}, {transform_indices = #map}]} {
    %mul3A = arith.constant 2 : i32
    %mul3A_0 = arith.muli %arg1, %mul3A : i32
    %add3A = arith.addi %mul3A_0, %arg0 : i32
    %scan3A = arith.constant 0 : i32
    %scan3A_1 = arith.constant 0 : i32
    %scan3A_2 = arith.constant 125 : i32
    %scan3A_3 = arith.addi %scan3A_1, %scan3A_2 : i32
    %scan3A_4 = arith.constant 1 : i32
    %scan3A_5 = scf.for %scan3A_7 = %scan3A_1 to %scan3A_3 step %scan3A_4 iter_args(%scan3A_8 = %scan3A) -> (i32)  : i32 {
      %mul3A_9 = arith.constant 10000 : i32
      %mul3A_10 = arith.muli %add3A, %mul3A_9 : i32
      %mul3A_11 = arith.constant 80 : i32
      %mul3A_12 = arith.muli %scan3A_7, %mul3A_11 : i32
      %add3A_13 = arith.addi %mul3A_10, %mul3A_12 : i32
      %run_scoped3A = arith.constant 0 : i32
      "tpu.region"() ({
        %run_scoped3A_75 = tpu.sem_alloc : memref<!tpu.dma_semaphore, #tpu.memory_space<semaphore_mem>>
        %dma_start3A_76 = arith.constant 0 : i32
        %dma_start3A_77 = tpu.memref_slice %arg7[%run_scoped3A, %dma_start3A_76] : memref<2x80xi32, #tpu.memory_space<vmem>> -> memref<1x80xi32, #tpu.memory_space<vmem>>
        %dma_start3A_78 = tpu.memref_squeeze %dma_start3A_77 : memref<1x80xi32, #tpu.memory_space<vmem>> -> memref<80xi32, #tpu.memory_space<vmem>>
        %dma_start3A_79 = tpu.memref_slice %arg4[%add3A_13] : memref<320000xi32, #tpu.memory_space<hbm>> -> memref<80xi32, #tpu.memory_space<hbm>>
        %dma_start3A_80 = arith.constant 0 : i32
        %dma_start3A_81 = tpu.memref_slice %arg7[%run_scoped3A, %dma_start3A_80] : memref<2x80xi32, #tpu.memory_space<vmem>> -> memref<1x80xi32, #tpu.memory_space<vmem>>
        %dma_start3A_82 = tpu.memref_squeeze %dma_start3A_81 : memref<1x80xi32, #tpu.memory_space<vmem>> -> memref<80xi32, #tpu.memory_space<vmem>>
        %dma_start3A_83 = tpu.memref_slice %arg4[%add3A_13] : memref<320000xi32, #tpu.memory_space<hbm>> -> memref<80xi32, #tpu.memory_space<hbm>>
        tpu.enqueue_dma source(%dma_start3A_83 : memref<80xi32, #tpu.memory_space<hbm>>) target(%dma_start3A_82 : memref<80xi32, #tpu.memory_space<vmem>>) target_semaphore(%run_scoped3A_75 : memref<!tpu.dma_semaphore, #tpu.memory_space<semaphore_mem>>)
        %dma_wait3A_84 = arith.constant 0 : i32
        %dma_wait3A_85 = tpu.memref_slice %arg7[%run_scoped3A, %dma_wait3A_84] : memref<2x80xi32, #tpu.memory_space<vmem>> -> memref<1x80xi32, #tpu.memory_space<vmem>>
        %dma_wait3A_86 = tpu.memref_squeeze %dma_wait3A_85 : memref<1x80xi32, #tpu.memory_space<vmem>> -> memref<80xi32, #tpu.memory_space<vmem>>
        %dma_wait3A_87 = tpu.memref_slice %arg4[%add3A_13] : memref<320000xi32, #tpu.memory_space<hbm>> -> memref<80xi32, #tpu.memory_space<hbm>>
        %dma_wait3A_88 = arith.constant 0 : i32
        %dma_wait3A_89 = tpu.memref_slice %arg7[%run_scoped3A, %dma_wait3A_88] : memref<2x80xi32, #tpu.memory_space<vmem>> -> memref<1x80xi32, #tpu.memory_space<vmem>>
        %dma_wait3A_90 = tpu.memref_squeeze %dma_wait3A_89 : memref<1x80xi32, #tpu.memory_space<vmem>> -> memref<80xi32, #tpu.memory_space<vmem>>
        %dma_wait3A_91 = tpu.memref_slice %arg4[%add3A_13] : memref<320000xi32, #tpu.memory_space<hbm>> -> memref<80xi32, #tpu.memory_space<hbm>>
        tpu.wait_dma2 semaphore(%run_scoped3A_75 : memref<!tpu.dma_semaphore, #tpu.memory_space<semaphore_mem>>) src(%dma_wait3A_91 : memref<80xi32, #tpu.memory_space<hbm>>) dst(%dma_wait3A_90 : memref<80xi32, #tpu.memory_space<vmem>>)
        tpu.yield
      }) : () -> ()
      %run_scoped3A_14 = arith.constant 0 : i32
      "tpu.region"() ({
        %run_scoped3A_75 = tpu.sem_alloc : memref<!tpu.dma_semaphore, #tpu.memory_space<semaphore_mem>>
        %dma_start3A_76 = arith.constant 0 : i32
        %dma_start3A_77 = tpu.memref_slice %arg8[%run_scoped3A_14, %dma_start3A_76] : memref<2x80xi32, #tpu.memory_space<vmem>> -> memref<1x80xi32, #tpu.memory_space<vmem>>
        %dma_start3A_78 = tpu.memref_squeeze %dma_start3A_77 : memref<1x80xi32, #tpu.memory_space<vmem>> -> memref<80xi32, #tpu.memory_space<vmem>>
        %dma_start3A_79 = tpu.memref_slice %arg5[%add3A_13] : memref<320000xi32, #tpu.memory_space<hbm>> -> memref<80xi32, #tpu.memory_space<hbm>>
        %dma_start3A_80 = arith.constant 0 : i32
        %dma_start3A_81 = tpu.memref_slice %arg8[%run_scoped3A_14, %dma_start3A_80] : memref<2x80xi32, #tpu.memory_space<vmem>> -> memref<1x80xi32, #tpu.memory_space<vmem>>
        %dma_start3A_82 = tpu.memref_squeeze %dma_start3A_81 : memref<1x80xi32, #tpu.memory_space<vmem>> -> memref<80xi32, #tpu.memory_space<vmem>>
        %dma_start3A_83 = tpu.memref_slice %arg5[%add3A_13] : memref<320000xi32, #tpu.memory_space<hbm>> -> memref<80xi32, #tpu.memory_space<hbm>>
        tpu.enqueue_dma source(%dma_start3A_83 : memref<80xi32, #tpu.memory_space<hbm>>) target(%dma_start3A_82 : memref<80xi32, #tpu.memory_space<vmem>>) target_semaphore(%run_scoped3A_75 : memref<!tpu.dma_semaphore, #tpu.memory_space<semaphore_mem>>)
        %dma_wait3A_84 = arith.constant 0 : i32
        %dma_wait3A_85 = tpu.memref_slice %arg8[%run_scoped3A_14, %dma_wait3A_84] : memref<2x80xi32, #tpu.memory_space<vmem>> -> memref<1x80xi32, #tpu.memory_space<vmem>>
        %dma_wait3A_86 = tpu.memref_squeeze %dma_wait3A_85 : memref<1x80xi32, #tpu.memory_space<vmem>> -> memref<80xi32, #tpu.memory_space<vmem>>
        %dma_wait3A_87 = tpu.memref_slice %arg5[%add3A_13] : memref<320000xi32, #tpu.memory_space<hbm>> -> memref<80xi32, #tpu.memory_space<hbm>>
        %dma_wait3A_88 = arith.constant 0 : i32
        %dma_wait3A_89 = tpu.memref_slice %arg8[%run_scoped3A_14, %dma_wait3A_88] : memref<2x80xi32, #tpu.memory_space<vmem>> -> memref<1x80xi32, #tpu.memory_space<vmem>>
        %dma_wait3A_90 = tpu.memref_squeeze %dma_wait3A_89 : memref<1x80xi32, #tpu.memory_space<vmem>> -> memref<80xi32, #tpu.memory_space<vmem>>
        %dma_wait3A_91 = tpu.memref_slice %arg5[%add3A_13] : memref<320000xi32, #tpu.memory_space<hbm>> -> memref<80xi32, #tpu.memory_space<hbm>>
        tpu.wait_dma2 semaphore(%run_scoped3A_75 : memref<!tpu.dma_semaphore, #tpu.memory_space<semaphore_mem>>) src(%dma_wait3A_91 : memref<80xi32, #tpu.memory_space<hbm>>) dst(%dma_wait3A_90 : memref<80xi32, #tpu.memory_space<vmem>>)
        tpu.yield
      }) : () -> ()
      %dma_start3A = arith.constant 0 : i32
      %dma_start3A_15 = arith.constant 0 : i32
      %dma_start3A_16 = arith.constant 0 : i32
      %dma_start3A_17 = arith.constant 0 : i32
      %dma_start3A_18 = tpu.memref_slice %arg9[%dma_start3A_15, %dma_start3A_16, %dma_start3A_17] : memref<2x80x128xf32, #tpu.memory_space<vmem>> -> memref<1x80x128xf32, #tpu.memory_space<vmem>>
      %dma_start3A_19 = tpu.memref_squeeze %dma_start3A_18 : memref<1x80x128xf32, #tpu.memory_space<vmem>> -> memref<80x128xf32, #tpu.memory_space<vmem>>
      %dma_start3A_20 = arith.constant 0 : i32
      %dma_start3A_21 = tpu.memref_slice %arg7[%dma_start3A, %dma_start3A_20] : memref<2x80xi32, #tpu.memory_space<vmem>> -> memref<1x80xi32, #tpu.memory_space<vmem>>
      %dma_start3A_22 = tpu.memref_squeeze %dma_start3A_21 : memref<1x80xi32, #tpu.memory_space<vmem>> -> memref<80xi32, #tpu.memory_space<vmem>>
      %dma_start3A_23 = arith.constant 0 : i32
      %dma_start3A_24 = arith.constant 0 : i32
      %dma_start3A_25 = tpu.memref_slice %arg2[%dma_start3A_23, %dma_start3A_24] : memref<10240x128xf32, #tpu.memory_space<hbm>> -> memref<10240x128xf32, #tpu.memory_space<hbm>>
      tpu.enqueue_indirect_dma source(%dma_start3A_25 : memref<10240x128xf32, #tpu.memory_space<hbm>>) target(%dma_start3A_19 : memref<80x128xf32, #tpu.memory_space<vmem>>) offsets(%dma_start3A_22 : memref<80xi32, #tpu.memory_space<vmem>>) semaphore(%arg11 : memref<!tpu.dma_semaphore, #tpu.memory_space<semaphore_mem>>)
      %dma_start3A_26 = arith.constant 0 : i32
      %dma_start3A_27 = arith.constant 0 : i32
      %dma_start3A_28 = arith.constant 0 : i32
      %dma_start3A_29 = arith.constant 0 : i32
      %dma_start3A_30 = tpu.memref_slice %arg10[%dma_start3A_27, %dma_start3A_28, %dma_start3A_29] : memref<2x80x128xf32, #tpu.memory_space<vmem>> -> memref<1x80x128xf32, #tpu.memory_space<vmem>>
      %dma_start3A_31 = tpu.memref_squeeze %dma_start3A_30 : memref<1x80x128xf32, #tpu.memory_space<vmem>> -> memref<80x128xf32, #tpu.memory_space<vmem>>
      %dma_start3A_32 = arith.constant 0 : i32
      %dma_start3A_33 = tpu.memref_slice %arg8[%dma_start3A_26, %dma_start3A_32] : memref<2x80xi32, #tpu.memory_space<vmem>> -> memref<1x80xi32, #tpu.memory_space<vmem>>
      %dma_start3A_34 = tpu.memref_squeeze %dma_start3A_33 : memref<1x80xi32, #tpu.memory_space<vmem>> -> memref<80xi32, #tpu.memory_space<vmem>>
      %dma_start3A_35 = arith.constant 0 : i32
      %dma_start3A_36 = arith.constant 0 : i32
      %dma_start3A_37 = tpu.memref_slice %arg3[%dma_start3A_35, %dma_start3A_36] : memref<10240x128xf32, #tpu.memory_space<hbm>> -> memref<10240x128xf32, #tpu.memory_space<hbm>>
      tpu.enqueue_indirect_dma source(%dma_start3A_37 : memref<10240x128xf32, #tpu.memory_space<hbm>>) target(%dma_start3A_31 : memref<80x128xf32, #tpu.memory_space<vmem>>) offsets(%dma_start3A_34 : memref<80xi32, #tpu.memory_space<vmem>>) semaphore(%arg12 : memref<!tpu.dma_semaphore, #tpu.memory_space<semaphore_mem>>)
      %dma_wait3A = arith.constant 0 : i32
      %dma_wait3A_38 = arith.constant 0 : i32
      %dma_wait3A_39 = arith.constant 0 : i32
      %dma_wait3A_40 = arith.constant 0 : i32
      %dma_wait3A_41 = tpu.memref_slice %arg9[%dma_wait3A_38, %dma_wait3A_39, %dma_wait3A_40] : memref<2x80x128xf32, #tpu.memory_space<vmem>> -> memref<1x80x128xf32, #tpu.memory_space<vmem>>
      %dma_wait3A_42 = tpu.memref_squeeze %dma_wait3A_41 : memref<1x80x128xf32, #tpu.memory_space<vmem>> -> memref<80x128xf32, #tpu.memory_space<vmem>>
      %dma_wait3A_43 = arith.constant 0 : i32
      %dma_wait3A_44 = tpu.memref_slice %arg7[%dma_wait3A, %dma_wait3A_43] : memref<2x80xi32, #tpu.memory_space<vmem>> -> memref<1x80xi32, #tpu.memory_space<vmem>>
      %dma_wait3A_45 = tpu.memref_squeeze %dma_wait3A_44 : memref<1x80xi32, #tpu.memory_space<vmem>> -> memref<80xi32, #tpu.memory_space<vmem>>
      %dma_wait3A_46 = arith.constant 0 : i32
      %dma_wait3A_47 = arith.constant 0 : i32
      %dma_wait3A_48 = tpu.memref_slice %arg2[%dma_wait3A_46, %dma_wait3A_47] : memref<10240x128xf32, #tpu.memory_space<hbm>> -> memref<10240x128xf32, #tpu.memory_space<hbm>>
      tpu.wait_indirect_dma semaphore(%arg11 : memref<!tpu.dma_semaphore, #tpu.memory_space<semaphore_mem>>) src(%dma_wait3A_48 : memref<10240x128xf32, #tpu.memory_space<hbm>>) dst(%dma_wait3A_42 : memref<80x128xf32, #tpu.memory_space<vmem>>)
      %dma_wait3A_49 = arith.constant 0 : i32
      %dma_wait3A_50 = arith.constant 0 : i32
      %dma_wait3A_51 = arith.constant 0 : i32
      %dma_wait3A_52 = arith.constant 0 : i32
      %dma_wait3A_53 = tpu.memref_slice %arg10[%dma_wait3A_50, %dma_wait3A_51, %dma_wait3A_52] : memref<2x80x128xf32, #tpu.memory_space<vmem>> -> memref<1x80x128xf32, #tpu.memory_space<vmem>>
      %dma_wait3A_54 = tpu.memref_squeeze %dma_wait3A_53 : memref<1x80x128xf32, #tpu.memory_space<vmem>> -> memref<80x128xf32, #tpu.memory_space<vmem>>
      %dma_wait3A_55 = arith.constant 0 : i32
      %dma_wait3A_56 = tpu.memref_slice %arg8[%dma_wait3A_49, %dma_wait3A_55] : memref<2x80xi32, #tpu.memory_space<vmem>> -> memref<1x80xi32, #tpu.memory_space<vmem>>
      %dma_wait3A_57 = tpu.memref_squeeze %dma_wait3A_56 : memref<1x80xi32, #tpu.memory_space<vmem>> -> memref<80xi32, #tpu.memory_space<vmem>>
      %dma_wait3A_58 = arith.constant 0 : i32
      %dma_wait3A_59 = arith.constant 0 : i32
      %dma_wait3A_60 = tpu.memref_slice %arg3[%dma_wait3A_58, %dma_wait3A_59] : memref<10240x128xf32, #tpu.memory_space<hbm>> -> memref<10240x128xf32, #tpu.memory_space<hbm>>
      tpu.wait_indirect_dma semaphore(%arg12 : memref<!tpu.dma_semaphore, #tpu.memory_space<semaphore_mem>>) src(%dma_wait3A_60 : memref<10240x128xf32, #tpu.memory_space<hbm>>) dst(%dma_wait3A_54 : memref<80x128xf32, #tpu.memory_space<vmem>>)
      %scan3A_61 = arith.constant 0 : i32
      %scan3A_62 = arith.constant 0 : i32
      %scan3A_63 = arith.constant 80 : i32
      %scan3A_64 = arith.addi %scan3A_62, %scan3A_63 : i32
      %scan3A_65 = arith.constant 1 : i32
      %scan3A_66 = scf.for %scan3A_75 = %scan3A_62 to %scan3A_64 step %scan3A_65 iter_args(%scan3A_76 = %scan3A_61) -> (i32)  : i32 {
        %get3A = arith.constant 0 : i32
        %get3A_77 = arith.index_cast %get3A : i32 to index
        %get3A_78 = arith.index_cast %scan3A_75 : i32 to index
        %get3A_79 = arith.constant 0 : index
        %get3A_80 = tpu.vector_load %arg9[%get3A_77, %get3A_78, %get3A_79] {strides = array<i32>} : memref<2x80x128xf32, #tpu.memory_space<vmem>>, vector<16xf32>,
        %get3A_81 = arith.constant 0 : i32
        %get3A_82 = arith.index_cast %get3A_81 : i32 to index
        %get3A_83 = arith.index_cast %scan3A_75 : i32 to index
        %get3A_84 = arith.constant 0 : index
        %get3A_85 = tpu.vector_load %arg10[%get3A_82, %get3A_83, %get3A_84] {strides = array<i32>} : memref<2x80x128xf32, #tpu.memory_space<vmem>>, vector<16xf32>,
        %add3A_86 = arith.addf %get3A_80, %get3A_85 : vector<16xf32>
        %max3A = arith.constant 0.000000e+00 : f32
        %max3A_87 = vector.broadcast %max3A : f32 to vector<16xf32>
        %max3A_88 = arith.maximumf %add3A_86, %max3A_87 : vector<16xf32>
        %swap3A = arith.constant 0 : i32
        %swap3A_89 = arith.index_cast %swap3A : i32 to index
        %swap3A_90 = arith.index_cast %scan3A_75 : i32 to index
        %swap3A_91 = arith.constant 0 : index
        %swap3A_92 = tpu.vector_load %arg9[%swap3A_89, %swap3A_90, %swap3A_91] {strides = array<i32>} : memref<2x80x128xf32, #tpu.memory_space<vmem>>, vector<16xf32>,
        tpu.vector_store %arg9[%swap3A_89, %swap3A_90, %swap3A_91], %max3A_88 {strides = array<i32>} : memref<2x80x128xf32, #tpu.memory_space<vmem>>, vector<16xf32>,
        %get3A_93 = arith.constant 0 : i32
        %get3A_94 = arith.index_cast %get3A_93 : i32 to index
        %get3A_95 = arith.index_cast %scan3A_75 : i32 to index
        %get3A_96 = arith.constant 16 : index
        %get3A_97 = tpu.vector_load %arg9[%get3A_94, %get3A_95, %get3A_96] {strides = array<i32>} : memref<2x80x128xf32, #tpu.memory_space<vmem>>, vector<16xf32>,
        %get3A_98 = arith.constant 0 : i32
        %get3A_99 = arith.index_cast %get3A_98 : i32 to index
        %get3A_100 = arith.index_cast %scan3A_75 : i32 to index
        %get3A_101 = arith.constant 16 : index
        %get3A_102 = tpu.vector_load %arg10[%get3A_99, %get3A_100, %get3A_101] {strides = array<i32>} : memref<2x80x128xf32, #tpu.memory_space<vmem>>, vector<16xf32>,
        %add3A_103 = arith.addf %get3A_97, %get3A_102 : vector<16xf32>
        %max3A_104 = arith.constant 0.000000e+00 : f32
        %max3A_105 = vector.broadcast %max3A_104 : f32 to vector<16xf32>
        %max3A_106 = arith.maximumf %add3A_103, %max3A_105 : vector<16xf32>
        %swap3A_107 = arith.constant 0 : i32
        %swap3A_108 = arith.index_cast %swap3A_107 : i32 to index
        %swap3A_109 = arith.index_cast %scan3A_75 : i32 to index
        %swap3A_110 = arith.constant 16 : index
        %swap3A_111 = tpu.vector_load %arg9[%swap3A_108, %swap3A_109, %swap3A_110] {strides = array<i32>} : memref<2x80x128xf32, #tpu.memory_space<vmem>>, vector<16xf32>,
        tpu.vector_store %arg9[%swap3A_108, %swap3A_109, %swap3A_110], %max3A_106 {strides = array<i32>} : memref<2x80x128xf32, #tpu.memory_space<vmem>>, vector<16xf32>,
        %get3A_112 = arith.constant 0 : i32
        %get3A_113 = arith.index_cast %get3A_112 : i32 to index
        %get3A_114 = arith.index_cast %scan3A_75 : i32 to index
        %get3A_115 = arith.constant 32 : index
        %get3A_116 = tpu.vector_load %arg9[%get3A_113, %get3A_114, %get3A_115] {strides = array<i32>} : memref<2x80x128xf32, #tpu.memory_space<vmem>>, vector<16xf32>,
        %get3A_117 = arith.constant 0 : i32
        %get3A_118 = arith.index_cast %get3A_117 : i32 to index
        %get3A_119 = arith.index_cast %scan3A_75 : i32 to index
        %get3A_120 = arith.constant 32 : index
        %get3A_121 = tpu.vector_load %arg10[%get3A_118, %get3A_119, %get3A_120] {strides = array<i32>} : memref<2x80x128xf32, #tpu.memory_space<vmem>>, vector<16xf32>,
        %add3A_122 = arith.addf %get3A_116, %get3A_121 : vector<16xf32>
        %max3A_123 = arith.constant 0.000000e+00 : f32
        %max3A_124 = vector.broadcast %max3A_123 : f32 to vector<16xf32>
        %max3A_125 = arith.maximumf %add3A_122, %max3A_124 : vector<16xf32>
        %swap3A_126 = arith.constant 0 : i32
        %swap3A_127 = arith.index_cast %swap3A_126 : i32 to index
        %swap3A_128 = arith.index_cast %scan3A_75 : i32 to index
        %swap3A_129 = arith.constant 32 : index
        %swap3A_130 = tpu.vector_load %arg9[%swap3A_127, %swap3A_128, %swap3A_129] {strides = array<i32>} : memref<2x80x128xf32, #tpu.memory_space<vmem>>, vector<16xf32>,
        tpu.vector_store %arg9[%swap3A_127, %swap3A_128, %swap3A_129], %max3A_125 {strides = array<i32>} : memref<2x80x128xf32, #tpu.memory_space<vmem>>, vector<16xf32>,
        %get3A_131 = arith.constant 0 : i32
        %get3A_132 = arith.index_cast %get3A_131 : i32 to index
        %get3A_133 = arith.index_cast %scan3A_75 : i32 to index
        %get3A_134 = arith.constant 48 : index
        %get3A_135 = tpu.vector_load %arg9[%get3A_132, %get3A_133, %get3A_134] {strides = array<i32>} : memref<2x80x128xf32, #tpu.memory_space<vmem>>, vector<16xf32>,
        %get3A_136 = arith.constant 0 : i32
        %get3A_137 = arith.index_cast %get3A_136 : i32 to index
        %get3A_138 = arith.index_cast %scan3A_75 : i32 to index
        %get3A_139 = arith.constant 48 : index
        %get3A_140 = tpu.vector_load %arg10[%get3A_137, %get3A_138, %get3A_139] {strides = array<i32>} : memref<2x80x128xf32, #tpu.memory_space<vmem>>, vector<16xf32>,
        %add3A_141 = arith.addf %get3A_135, %get3A_140 : vector<16xf32>
        %max3A_142 = arith.constant 0.000000e+00 : f32
        %max3A_143 = vector.broadcast %max3A_142 : f32 to vector<16xf32>
        %max3A_144 = arith.maximumf %add3A_141, %max3A_143 : vector<16xf32>
        %swap3A_145 = arith.constant 0 : i32
        %swap3A_146 = arith.index_cast %swap3A_145 : i32 to index
        %swap3A_147 = arith.index_cast %scan3A_75 : i32 to index
        %swap3A_148 = arith.constant 48 : index
        %swap3A_149 = tpu.vector_load %arg9[%swap3A_146, %swap3A_147, %swap3A_148] {strides = array<i32>} : memref<2x80x128xf32, #tpu.memory_space<vmem>>, vector<16xf32>,
        tpu.vector_store %arg9[%swap3A_146, %swap3A_147, %swap3A_148], %max3A_144 {strides = array<i32>} : memref<2x80x128xf32, #tpu.memory_space<vmem>>, vector<16xf32>,
        %get3A_150 = arith.constant 0 : i32
        %get3A_151 = arith.index_cast %get3A_150 : i32 to index
        %get3A_152 = arith.index_cast %scan3A_75 : i32 to index
        %get3A_153 = arith.constant 64 : index
        %get3A_154 = tpu.vector_load %arg9[%get3A_151, %get3A_152, %get3A_153] {strides = array<i32>} : memref<2x80x128xf32, #tpu.memory_space<vmem>>, vector<16xf32>,
        %get3A_155 = arith.constant 0 : i32
        %get3A_156 = arith.index_cast %get3A_155 : i32 to index
        %get3A_157 = arith.index_cast %scan3A_75 : i32 to index
        %get3A_158 = arith.constant 64 : index
        %get3A_159 = tpu.vector_load %arg10[%get3A_156, %get3A_157, %get3A_158] {strides = array<i32>} : memref<2x80x128xf32, #tpu.memory_space<vmem>>, vector<16xf32>,
        %add3A_160 = arith.addf %get3A_154, %get3A_159 : vector<16xf32>
        %max3A_161 = arith.constant 0.000000e+00 : f32
        %max3A_162 = vector.broadcast %max3A_161 : f32 to vector<16xf32>
        %max3A_163 = arith.maximumf %add3A_160, %max3A_162 : vector<16xf32>
        %swap3A_164 = arith.constant 0 : i32
        %swap3A_165 = arith.index_cast %swap3A_164 : i32 to index
        %swap3A_166 = arith.index_cast %scan3A_75 : i32 to index
        %swap3A_167 = arith.constant 64 : index
        %swap3A_168 = tpu.vector_load %arg9[%swap3A_165, %swap3A_166, %swap3A_167] {strides = array<i32>} : memref<2x80x128xf32, #tpu.memory_space<vmem>>, vector<16xf32>,
        tpu.vector_store %arg9[%swap3A_165, %swap3A_166, %swap3A_167], %max3A_163 {strides = array<i32>} : memref<2x80x128xf32, #tpu.memory_space<vmem>>, vector<16xf32>,
        %get3A_169 = arith.constant 0 : i32
        %get3A_170 = arith.index_cast %get3A_169 : i32 to index
        %get3A_171 = arith.index_cast %scan3A_75 : i32 to index
        %get3A_172 = arith.constant 80 : index
        %get3A_173 = tpu.vector_load %arg9[%get3A_170, %get3A_171, %get3A_172] {strides = array<i32>} : memref<2x80x128xf32, #tpu.memory_space<vmem>>, vector<16xf32>,
        %get3A_174 = arith.constant 0 : i32
        %get3A_175 = arith.index_cast %get3A_174 : i32 to index
        %get3A_176 = arith.index_cast %scan3A_75 : i32 to index
        %get3A_177 = arith.constant 80 : index
        %get3A_178 = tpu.vector_load %arg10[%get3A_175, %get3A_176, %get3A_177] {strides = array<i32>} : memref<2x80x128xf32, #tpu.memory_space<vmem>>, vector<16xf32>,
        %add3A_179 = arith.addf %get3A_173, %get3A_178 : vector<16xf32>
        %max3A_180 = arith.constant 0.000000e+00 : f32
        %max3A_181 = vector.broadcast %max3A_180 : f32 to vector<16xf32>
        %max3A_182 = arith.maximumf %add3A_179, %max3A_181 : vector<16xf32>
        %swap3A_183 = arith.constant 0 : i32
        %swap3A_184 = arith.index_cast %swap3A_183 : i32 to index
        %swap3A_185 = arith.index_cast %scan3A_75 : i32 to index
        %swap3A_186 = arith.constant 80 : index
        %swap3A_187 = tpu.vector_load %arg9[%swap3A_184, %swap3A_185, %swap3A_186] {strides = array<i32>} : memref<2x80x128xf32, #tpu.memory_space<vmem>>, vector<16xf32>,
        tpu.vector_store %arg9[%swap3A_184, %swap3A_185, %swap3A_186], %max3A_182 {strides = array<i32>} : memref<2x80x128xf32, #tpu.memory_space<vmem>>, vector<16xf32>,
        %get3A_188 = arith.constant 0 : i32
        %get3A_189 = arith.index_cast %get3A_188 : i32 to index
        %get3A_190 = arith.index_cast %scan3A_75 : i32 to index
        %get3A_191 = arith.constant 96 : index
        %get3A_192 = tpu.vector_load %arg9[%get3A_189, %get3A_190, %get3A_191] {strides = array<i32>} : memref<2x80x128xf32, #tpu.memory_space<vmem>>, vector<16xf32>,
        %get3A_193 = arith.constant 0 : i32
        %get3A_194 = arith.index_cast %get3A_193 : i32 to index
        %get3A_195 = arith.index_cast %scan3A_75 : i32 to index
        %get3A_196 = arith.constant 96 : index
        %get3A_197 = tpu.vector_load %arg10[%get3A_194, %get3A_195, %get3A_196] {strides = array<i32>} : memref<2x80x128xf32, #tpu.memory_space<vmem>>, vector<16xf32>,
        %add3A_198 = arith.addf %get3A_192, %get3A_197 : vector<16xf32>
        %max3A_199 = arith.constant 0.000000e+00 : f32
        %max3A_200 = vector.broadcast %max3A_199 : f32 to vector<16xf32>
        %max3A_201 = arith.maximumf %add3A_198, %max3A_200 : vector<16xf32>
        %swap3A_202 = arith.constant 0 : i32
        %swap3A_203 = arith.index_cast %swap3A_202 : i32 to index
        %swap3A_204 = arith.index_cast %scan3A_75 : i32 to index
        %swap3A_205 = arith.constant 96 : index
        %swap3A_206 = tpu.vector_load %arg9[%swap3A_203, %swap3A_204, %swap3A_205] {strides = array<i32>} : memref<2x80x128xf32, #tpu.memory_space<vmem>>, vector<16xf32>,
        tpu.vector_store %arg9[%swap3A_203, %swap3A_204, %swap3A_205], %max3A_201 {strides = array<i32>} : memref<2x80x128xf32, #tpu.memory_space<vmem>>, vector<16xf32>,
        %get3A_207 = arith.constant 0 : i32
        %get3A_208 = arith.index_cast %get3A_207 : i32 to index
        %get3A_209 = arith.index_cast %scan3A_75 : i32 to index
        %get3A_210 = arith.constant 112 : index
        %get3A_211 = tpu.vector_load %arg9[%get3A_208, %get3A_209, %get3A_210] {strides = array<i32>} : memref<2x80x128xf32, #tpu.memory_space<vmem>>, vector<16xf32>,
        %get3A_212 = arith.constant 0 : i32
        %get3A_213 = arith.index_cast %get3A_212 : i32 to index
        %get3A_214 = arith.index_cast %scan3A_75 : i32 to index
        %get3A_215 = arith.constant 112 : index
        %get3A_216 = tpu.vector_load %arg10[%get3A_213, %get3A_214, %get3A_215] {strides = array<i32>} : memref<2x80x128xf32, #tpu.memory_space<vmem>>, vector<16xf32>,
        %add3A_217 = arith.addf %get3A_211, %get3A_216 : vector<16xf32>
        %max3A_218 = arith.constant 0.000000e+00 : f32
        %max3A_219 = vector.broadcast %max3A_218 : f32 to vector<16xf32>
        %max3A_220 = arith.maximumf %add3A_217, %max3A_219 : vector<16xf32>
        %swap3A_221 = arith.constant 0 : i32
        %swap3A_222 = arith.index_cast %swap3A_221 : i32 to index
        %swap3A_223 = arith.index_cast %scan3A_75 : i32 to index
        %swap3A_224 = arith.constant 112 : index
        %swap3A_225 = tpu.vector_load %arg9[%swap3A_222, %swap3A_223, %swap3A_224] {strides = array<i32>} : memref<2x80x128xf32, #tpu.memory_space<vmem>>, vector<16xf32>,
        tpu.vector_store %arg9[%swap3A_222, %swap3A_223, %swap3A_224], %max3A_220 {strides = array<i32>} : memref<2x80x128xf32, #tpu.memory_space<vmem>>, vector<16xf32>,
        %scan3A_226 = arith.constant 0 : i32
        scf.yield %scan3A_226 : i32
      }
      %scan3A_67 = arith.constant 80 : i32
      %mul3A_68 = arith.constant 10000 : i32
      %mul3A_69 = arith.muli %add3A, %mul3A_68 : i32
      %mul3A_70 = arith.constant 80 : i32
      %mul3A_71 = arith.muli %scan3A_7, %mul3A_70 : i32
      %add3A_72 = arith.addi %mul3A_69, %mul3A_71 : i32
      %run_scoped3A_73 = arith.constant 0 : i32
      "tpu.region"() ({
        %run_scoped3A_75 = tpu.sem_alloc : memref<!tpu.dma_semaphore, #tpu.memory_space<semaphore_mem>>
        %dma_start3A_76 = arith.constant 0 : i32
        %dma_start3A_77 = arith.constant 0 : i32
        %dma_start3A_78 = tpu.memref_slice %arg9[%run_scoped3A_73, %dma_start3A_76, %dma_start3A_77] : memref<2x80x128xf32, #tpu.memory_space<vmem>> -> memref<1x80x128xf32, #tpu.memory_space<vmem>>
        %dma_start3A_79 = tpu.memref_squeeze %dma_start3A_78 : memref<1x80x128xf32, #tpu.memory_space<vmem>> -> memref<80x128xf32, #tpu.memory_space<vmem>>
        %dma_start3A_80 = arith.constant 0 : i32
        %dma_start3A_81 = tpu.memref_slice %arg6[%add3A_72, %dma_start3A_80] : memref<320000x128xf32, #tpu.memory_space<hbm>> -> memref<80x128xf32, #tpu.memory_space<hbm>>
        %dma_start3A_82 = arith.constant 0 : i32
        %dma_start3A_83 = tpu.memref_slice %arg6[%add3A_72, %dma_start3A_82] : memref<320000x128xf32, #tpu.memory_space<hbm>> -> memref<80x128xf32, #tpu.memory_space<hbm>>
        %dma_start3A_84 = arith.constant 0 : i32
        %dma_start3A_85 = arith.constant 0 : i32
        %dma_start3A_86 = tpu.memref_slice %arg9[%run_scoped3A_73, %dma_start3A_84, %dma_start3A_85] : memref<2x80x128xf32, #tpu.memory_space<vmem>> -> memref<1x80x128xf32, #tpu.memory_space<vmem>>
        %dma_start3A_87 = tpu.memref_squeeze %dma_start3A_86 : memref<1x80x128xf32, #tpu.memory_space<vmem>> -> memref<80x128xf32, #tpu.memory_space<vmem>>
        tpu.enqueue_dma source(%dma_start3A_87 : memref<80x128xf32, #tpu.memory_space<vmem>>) target(%dma_start3A_83 : memref<80x128xf32, #tpu.memory_space<hbm>>) target_semaphore(%run_scoped3A_75 : memref<!tpu.dma_semaphore, #tpu.memory_space<semaphore_mem>>)
        %dma_wait3A_88 = arith.constant 0 : i32
        %dma_wait3A_89 = arith.constant 0 : i32
        %dma_wait3A_90 = tpu.memref_slice %arg9[%run_scoped3A_73, %dma_wait3A_88, %dma_wait3A_89] : memref<2x80x128xf32, #tpu.memory_space<vmem>> -> memref<1x80x128xf32, #tpu.memory_space<vmem>>
        %dma_wait3A_91 = tpu.memref_squeeze %dma_wait3A_90 : memref<1x80x128xf32, #tpu.memory_space<vmem>> -> memref<80x128xf32, #tpu.memory_space<vmem>>
        %dma_wait3A_92 = arith.constant 0 : i32
        %dma_wait3A_93 = tpu.memref_slice %arg6[%add3A_72, %dma_wait3A_92] : memref<320000x128xf32, #tpu.memory_space<hbm>> -> memref<80x128xf32, #tpu.memory_space<hbm>>
        %dma_wait3A_94 = arith.constant 0 : i32
        %dma_wait3A_95 = tpu.memref_slice %arg6[%add3A_72, %dma_wait3A_94] : memref<320000x128xf32, #tpu.memory_space<hbm>> -> memref<80x128xf32, #tpu.memory_space<hbm>>
        %dma_wait3A_96 = arith.constant 0 : i32
        %dma_wait3A_97 = arith.constant 0 : i32
        %dma_wait3A_98 = tpu.memref_slice %arg9[%run_scoped3A_73, %dma_wait3A_96, %dma_wait3A_97] : memref<2x80x128xf32, #tpu.memory_space<vmem>> -> memref<1x80x128xf32, #tpu.memory_space<vmem>>
        %dma_wait3A_99 = tpu.memref_squeeze %dma_wait3A_98 : memref<1x80x128xf32, #tpu.memory_space<vmem>> -> memref<80x128xf32, #tpu.memory_space<vmem>>
        tpu.wait_dma2 semaphore(%run_scoped3A_75 : memref<!tpu.dma_semaphore, #tpu.memory_space<semaphore_mem>>) src(%dma_wait3A_99 : memref<80x128xf32, #tpu.memory_space<vmem>>) dst(%dma_wait3A_95 : memref<80x128xf32, #tpu.memory_space<hbm>>)
        tpu.yield
      }) : () -> ()
      %scan3A_74 = arith.constant 0 : i32
      scf.yield %scan3A_74 : i32
    }
    %scan3A_6 = arith.constant 125 : i32
    return
  }
}

#map = affine_map<(d0, d1) -> (0, 0)>
#map1 = affine_map<(d0, d1) -> (0)>
module attributes {stable_mosaic.version = 14 : i64} {
  func.func @new_body(%arg0: i32, %arg1: i32, %arg2: memref<320000x128xf32, #tpu.memory_space<hbm>>, %arg3: memref<320000xi32, #tpu.memory_space<hbm>>, %arg4: memref<10272x128xf32, #tpu.memory_space<hbm>>, %arg5: memref<64x128xf32, #tpu.memory_space<hbm>>, %arg6: memref<64x16xi32, #tpu.memory_space<hbm>>, %arg7: memref<10272x128xf32, #tpu.memory_space<hbm>>, %arg8: memref<400x128xf32, #tpu.memory_space<vmem>>, %arg9: memref<400xi32, #tpu.memory_space<vmem>>, %arg10: memref<128x128xf32, #tpu.memory_space<vmem>>, %arg11: memref<128xi32, #tpu.memory_space<vmem>>, %arg12: memref<2x128xf32, #tpu.memory_space<vmem>>, %arg13: memref<2x16xi32, #tpu.memory_space<vmem>>, %arg14: memref<!tpu.dma_semaphore, #tpu.memory_space<semaphore_mem>>) attributes {dimension_semantics = [#tpu.dimension_semantics<core_parallel>, #tpu.dimension_semantics<subcore_parallel>], iteration_bounds = array<i64: 2, 16>, scalar_prefetch = 0 : i64, scratch_operands = 7 : i64, tpu.core_type = #tpu.core_type<sc_vector_subcore>, window_params = [{transform_indices = #map}, {transform_indices = #map1}, {transform_indices = #map}, {transform_indices = #map}, {transform_indices = #map}, {transform_indices = #map}]} {
    %mul3A = arith.constant 2 : i32
    %mul3A_0 = arith.muli %arg1, %mul3A : i32
    %add3A = arith.addi %mul3A_0, %arg0 : i32
    %add3A_1 = arith.constant 10240 : i32
    %add3A_2 = arith.addi %add3A_1, %add3A : i32
    %iota3A = tpu.iota {dimensions = array<i32: 0>} : vector<16xi32>
    %eq3A = arith.constant 0 : i32
    %eq3A_3 = vector.broadcast %eq3A : i32 to vector<16xi32>
    %eq3A_4 = arith.cmpi eq, %iota3A, %eq3A_3 : vector<16xi32>
    %broadcast_in_dim3A = arith.constant 0 : i32
    %broadcast_in_dim3A_5 = vector.broadcast %broadcast_in_dim3A : i32 to vector<16xi32>
    %add3A_6 = vector.broadcast %add3A_2 : i32 to vector<16xi32>
    %add3A_7 = arith.addi %broadcast_in_dim3A_5, %add3A_6 : vector<16xi32>
    %broadcast_in_dim3A_8 = arith.constant -3.000000e+38 : f32
    %broadcast_in_dim3A_9 = vector.broadcast %broadcast_in_dim3A_8 : f32 to vector<16xf32>
    %swap3A = arith.constant 0 : index
    %swap3A_10 = tpu.vector_load %arg11[%swap3A] {strides = array<i32>} : memref<128xi32, #tpu.memory_space<vmem>>, vector<16xi32>,
    tpu.vector_store %arg11[%swap3A], %add3A_7 {strides = array<i32>} : memref<128xi32, #tpu.memory_space<vmem>>, vector<16xi32>,
    %swap3A_11 = arith.constant 16 : index
    %swap3A_12 = tpu.vector_load %arg11[%swap3A_11] {strides = array<i32>} : memref<128xi32, #tpu.memory_space<vmem>>, vector<16xi32>,
    tpu.vector_store %arg11[%swap3A_11], %add3A_7 {strides = array<i32>} : memref<128xi32, #tpu.memory_space<vmem>>, vector<16xi32>,
    %swap3A_13 = arith.constant 32 : index
    %swap3A_14 = tpu.vector_load %arg11[%swap3A_13] {strides = array<i32>} : memref<128xi32, #tpu.memory_space<vmem>>, vector<16xi32>,
    tpu.vector_store %arg11[%swap3A_13], %add3A_7 {strides = array<i32>} : memref<128xi32, #tpu.memory_space<vmem>>, vector<16xi32>,
    %swap3A_15 = arith.constant 48 : index
    %swap3A_16 = tpu.vector_load %arg11[%swap3A_15] {strides = array<i32>} : memref<128xi32, #tpu.memory_space<vmem>>, vector<16xi32>,
    tpu.vector_store %arg11[%swap3A_15], %add3A_7 {strides = array<i32>} : memref<128xi32, #tpu.memory_space<vmem>>, vector<16xi32>,
    %swap3A_17 = arith.constant 64 : index
    %swap3A_18 = tpu.vector_load %arg11[%swap3A_17] {strides = array<i32>} : memref<128xi32, #tpu.memory_space<vmem>>, vector<16xi32>,
    tpu.vector_store %arg11[%swap3A_17], %add3A_7 {strides = array<i32>} : memref<128xi32, #tpu.memory_space<vmem>>, vector<16xi32>,
    %swap3A_19 = arith.constant 80 : index
    %swap3A_20 = tpu.vector_load %arg11[%swap3A_19] {strides = array<i32>} : memref<128xi32, #tpu.memory_space<vmem>>, vector<16xi32>,
    tpu.vector_store %arg11[%swap3A_19], %add3A_7 {strides = array<i32>} : memref<128xi32, #tpu.memory_space<vmem>>, vector<16xi32>,
    %swap3A_21 = arith.constant 96 : index
    %swap3A_22 = tpu.vector_load %arg11[%swap3A_21] {strides = array<i32>} : memref<128xi32, #tpu.memory_space<vmem>>, vector<16xi32>,
    tpu.vector_store %arg11[%swap3A_21], %add3A_7 {strides = array<i32>} : memref<128xi32, #tpu.memory_space<vmem>>, vector<16xi32>,
    %swap3A_23 = arith.constant 112 : index
    %swap3A_24 = tpu.vector_load %arg11[%swap3A_23] {strides = array<i32>} : memref<128xi32, #tpu.memory_space<vmem>>, vector<16xi32>,
    tpu.vector_store %arg11[%swap3A_23], %add3A_7 {strides = array<i32>} : memref<128xi32, #tpu.memory_space<vmem>>, vector<16xi32>,
    %swap3A_25 = arith.constant 0 : i32
    %swap3A_26 = arith.index_cast %swap3A_25 : i32 to index
    %swap3A_27 = arith.constant 0 : index
    %swap3A_28 = tpu.vector_load %arg12[%swap3A_26, %swap3A_27] {strides = array<i32>} : memref<2x128xf32, #tpu.memory_space<vmem>>, vector<16xf32>,
    tpu.vector_store %arg12[%swap3A_26, %swap3A_27], %broadcast_in_dim3A_9 {strides = array<i32>} : memref<2x128xf32, #tpu.memory_space<vmem>>, vector<16xf32>,
    %swap3A_29 = arith.constant 1 : i32
    %swap3A_30 = arith.index_cast %swap3A_29 : i32 to index
    %swap3A_31 = arith.constant 0 : index
    %swap3A_32 = tpu.vector_load %arg12[%swap3A_30, %swap3A_31] {strides = array<i32>} : memref<2x128xf32, #tpu.memory_space<vmem>>, vector<16xf32>,
    tpu.vector_store %arg12[%swap3A_30, %swap3A_31], %broadcast_in_dim3A_9 {strides = array<i32>} : memref<2x128xf32, #tpu.memory_space<vmem>>, vector<16xf32>,
    %swap3A_33 = arith.constant 0 : i32
    %swap3A_34 = arith.index_cast %swap3A_33 : i32 to index
    %swap3A_35 = arith.constant 16 : index
    %swap3A_36 = tpu.vector_load %arg12[%swap3A_34, %swap3A_35] {strides = array<i32>} : memref<2x128xf32, #tpu.memory_space<vmem>>, vector<16xf32>,
    tpu.vector_store %arg12[%swap3A_34, %swap3A_35], %broadcast_in_dim3A_9 {strides = array<i32>} : memref<2x128xf32, #tpu.memory_space<vmem>>, vector<16xf32>,
    %swap3A_37 = arith.constant 1 : i32
    %swap3A_38 = arith.index_cast %swap3A_37 : i32 to index
    %swap3A_39 = arith.constant 16 : index
    %swap3A_40 = tpu.vector_load %arg12[%swap3A_38, %swap3A_39] {strides = array<i32>} : memref<2x128xf32, #tpu.memory_space<vmem>>, vector<16xf32>,
    tpu.vector_store %arg12[%swap3A_38, %swap3A_39], %broadcast_in_dim3A_9 {strides = array<i32>} : memref<2x128xf32, #tpu.memory_space<vmem>>, vector<16xf32>,
    %swap3A_41 = arith.constant 0 : i32
    %swap3A_42 = arith.index_cast %swap3A_41 : i32 to index
    %swap3A_43 = arith.constant 32 : index
    %swap3A_44 = tpu.vector_load %arg12[%swap3A_42, %swap3A_43] {strides = array<i32>} : memref<2x128xf32, #tpu.memory_space<vmem>>, vector<16xf32>,
    tpu.vector_store %arg12[%swap3A_42, %swap3A_43], %broadcast_in_dim3A_9 {strides = array<i32>} : memref<2x128xf32, #tpu.memory_space<vmem>>, vector<16xf32>,
    %swap3A_45 = arith.constant 1 : i32
    %swap3A_46 = arith.index_cast %swap3A_45 : i32 to index
    %swap3A_47 = arith.constant 32 : index
    %swap3A_48 = tpu.vector_load %arg12[%swap3A_46, %swap3A_47] {strides = array<i32>} : memref<2x128xf32, #tpu.memory_space<vmem>>, vector<16xf32>,
    tpu.vector_store %arg12[%swap3A_46, %swap3A_47], %broadcast_in_dim3A_9 {strides = array<i32>} : memref<2x128xf32, #tpu.memory_space<vmem>>, vector<16xf32>,
    %swap3A_49 = arith.constant 0 : i32
    %swap3A_50 = arith.index_cast %swap3A_49 : i32 to index
    %swap3A_51 = arith.constant 48 : index
    %swap3A_52 = tpu.vector_load %arg12[%swap3A_50, %swap3A_51] {strides = array<i32>} : memref<2x128xf32, #tpu.memory_space<vmem>>, vector<16xf32>,
    tpu.vector_store %arg12[%swap3A_50, %swap3A_51], %broadcast_in_dim3A_9 {strides = array<i32>} : memref<2x128xf32, #tpu.memory_space<vmem>>, vector<16xf32>,
    %swap3A_53 = arith.constant 1 : i32
    %swap3A_54 = arith.index_cast %swap3A_53 : i32 to index
    %swap3A_55 = arith.constant 48 : index
    %swap3A_56 = tpu.vector_load %arg12[%swap3A_54, %swap3A_55] {strides = array<i32>} : memref<2x128xf32, #tpu.memory_space<vmem>>, vector<16xf32>,
    tpu.vector_store %arg12[%swap3A_54, %swap3A_55], %broadcast_in_dim3A_9 {strides = array<i32>} : memref<2x128xf32, #tpu.memory_space<vmem>>, vector<16xf32>,
    %swap3A_57 = arith.constant 0 : i32
    %swap3A_58 = arith.index_cast %swap3A_57 : i32 to index
    %swap3A_59 = arith.constant 64 : index
    %swap3A_60 = tpu.vector_load %arg12[%swap3A_58, %swap3A_59] {strides = array<i32>} : memref<2x128xf32, #tpu.memory_space<vmem>>, vector<16xf32>,
    tpu.vector_store %arg12[%swap3A_58, %swap3A_59], %broadcast_in_dim3A_9 {strides = array<i32>} : memref<2x128xf32, #tpu.memory_space<vmem>>, vector<16xf32>,
    %swap3A_61 = arith.constant 1 : i32
    %swap3A_62 = arith.index_cast %swap3A_61 : i32 to index
    %swap3A_63 = arith.constant 64 : index
    %swap3A_64 = tpu.vector_load %arg12[%swap3A_62, %swap3A_63] {strides = array<i32>} : memref<2x128xf32, #tpu.memory_space<vmem>>, vector<16xf32>,
    tpu.vector_store %arg12[%swap3A_62, %swap3A_63], %broadcast_in_dim3A_9 {strides = array<i32>} : memref<2x128xf32, #tpu.memory_space<vmem>>, vector<16xf32>,
    %swap3A_65 = arith.constant 0 : i32
    %swap3A_66 = arith.index_cast %swap3A_65 : i32 to index
    %swap3A_67 = arith.constant 80 : index
    %swap3A_68 = tpu.vector_load %arg12[%swap3A_66, %swap3A_67] {strides = array<i32>} : memref<2x128xf32, #tpu.memory_space<vmem>>, vector<16xf32>,
    tpu.vector_store %arg12[%swap3A_66, %swap3A_67], %broadcast_in_dim3A_9 {strides = array<i32>} : memref<2x128xf32, #tpu.memory_space<vmem>>, vector<16xf32>,
    %swap3A_69 = arith.constant 1 : i32
    %swap3A_70 = arith.index_cast %swap3A_69 : i32 to index
    %swap3A_71 = arith.constant 80 : index
    %swap3A_72 = tpu.vector_load %arg12[%swap3A_70, %swap3A_71] {strides = array<i32>} : memref<2x128xf32, #tpu.memory_space<vmem>>, vector<16xf32>,
    tpu.vector_store %arg12[%swap3A_70, %swap3A_71], %broadcast_in_dim3A_9 {strides = array<i32>} : memref<2x128xf32, #tpu.memory_space<vmem>>, vector<16xf32>,
    %swap3A_73 = arith.constant 0 : i32
    %swap3A_74 = arith.index_cast %swap3A_73 : i32 to index
    %swap3A_75 = arith.constant 96 : index
    %swap3A_76 = tpu.vector_load %arg12[%swap3A_74, %swap3A_75] {strides = array<i32>} : memref<2x128xf32, #tpu.memory_space<vmem>>, vector<16xf32>,
    tpu.vector_store %arg12[%swap3A_74, %swap3A_75], %broadcast_in_dim3A_9 {strides = array<i32>} : memref<2x128xf32, #tpu.memory_space<vmem>>, vector<16xf32>,
    %swap3A_77 = arith.constant 1 : i32
    %swap3A_78 = arith.index_cast %swap3A_77 : i32 to index
    %swap3A_79 = arith.constant 96 : index
    %swap3A_80 = tpu.vector_load %arg12[%swap3A_78, %swap3A_79] {strides = array<i32>} : memref<2x128xf32, #tpu.memory_space<vmem>>, vector<16xf32>,
    tpu.vector_store %arg12[%swap3A_78, %swap3A_79], %broadcast_in_dim3A_9 {strides = array<i32>} : memref<2x128xf32, #tpu.memory_space<vmem>>, vector<16xf32>,
    %swap3A_81 = arith.constant 0 : i32
    %swap3A_82 = arith.index_cast %swap3A_81 : i32 to index
    %swap3A_83 = arith.constant 112 : index
    %swap3A_84 = tpu.vector_load %arg12[%swap3A_82, %swap3A_83] {strides = array<i32>} : memref<2x128xf32, #tpu.memory_space<vmem>>, vector<16xf32>,
    tpu.vector_store %arg12[%swap3A_82, %swap3A_83], %broadcast_in_dim3A_9 {strides = array<i32>} : memref<2x128xf32, #tpu.memory_space<vmem>>, vector<16xf32>,
    %swap3A_85 = arith.constant 1 : i32
    %swap3A_86 = arith.index_cast %swap3A_85 : i32 to index
    %swap3A_87 = arith.constant 112 : index
    %swap3A_88 = tpu.vector_load %arg12[%swap3A_86, %swap3A_87] {strides = array<i32>} : memref<2x128xf32, #tpu.memory_space<vmem>>, vector<16xf32>,
    tpu.vector_store %arg12[%swap3A_86, %swap3A_87], %broadcast_in_dim3A_9 {strides = array<i32>} : memref<2x128xf32, #tpu.memory_space<vmem>>, vector<16xf32>,
    %broadcast_in_dim3A_89 = arith.constant 0 : i32
    %broadcast_in_dim3A_90 = vector.broadcast %broadcast_in_dim3A_89 : i32 to vector<16xi32>
    %scan3A = arith.constant 0 : i32
    %scan3A_91 = arith.constant 0 : i32
    %scan3A_92 = arith.constant 0 : i32
    %scan3A_93 = arith.constant 25 : i32
    %scan3A_94 = arith.addi %scan3A_92, %scan3A_93 : i32
    %scan3A_95 = arith.constant 1 : i32
    %scan3A_96:11 = scf.for %scan3A_145 = %scan3A_92 to %scan3A_94 step %scan3A_95 iter_args(%scan3A_146 = %broadcast_in_dim3A_9, %scan3A_147 = %broadcast_in_dim3A_9, %scan3A_148 = %broadcast_in_dim3A_9, %scan3A_149 = %broadcast_in_dim3A_9, %scan3A_150 = %broadcast_in_dim3A_9, %scan3A_151 = %broadcast_in_dim3A_9, %scan3A_152 = %broadcast_in_dim3A_9, %scan3A_153 = %broadcast_in_dim3A_9, %scan3A_154 = %broadcast_in_dim3A_90, %scan3A_155 = %scan3A, %scan3A_156 = %scan3A_91) -> (vector<16xf32>, vector<16xf32>, vector<16xf32>, vector<16xf32>, vector<16xf32>, vector<16xf32>, vector<16xf32>, vector<16xf32>, vector<16xi32>, i32, i32)  : i32 {
      %mul3A_157 = arith.constant 10000 : i32
      %mul3A_158 = arith.muli %add3A, %mul3A_157 : i32
      %mul3A_159 = arith.constant 400 : i32
      %mul3A_160 = arith.muli %scan3A_145, %mul3A_159 : i32
      %add3A_161 = arith.addi %mul3A_158, %mul3A_160 : i32
      "tpu.region"() ({
        %run_scoped3A = tpu.sem_alloc : memref<!tpu.dma_semaphore, #tpu.memory_space<semaphore_mem>>
        %dma_start3A_170 = arith.constant 0 : i32
        %dma_start3A_171 = tpu.memref_slice %arg2[%add3A_161, %dma_start3A_170] : memref<320000x128xf32, #tpu.memory_space<hbm>> -> memref<400x128xf32, #tpu.memory_space<hbm>>
        %dma_start3A_172 = arith.constant 0 : i32
        %dma_start3A_173 = tpu.memref_slice %arg2[%add3A_161, %dma_start3A_172] : memref<320000x128xf32, #tpu.memory_space<hbm>> -> memref<400x128xf32, #tpu.memory_space<hbm>>
        tpu.enqueue_dma source(%dma_start3A_173 : memref<400x128xf32, #tpu.memory_space<hbm>>) target(%arg8 : memref<400x128xf32, #tpu.memory_space<vmem>>) target_semaphore(%run_scoped3A : memref<!tpu.dma_semaphore, #tpu.memory_space<semaphore_mem>>)
        %dma_wait3A_174 = arith.constant 0 : i32
        %dma_wait3A_175 = tpu.memref_slice %arg2[%add3A_161, %dma_wait3A_174] : memref<320000x128xf32, #tpu.memory_space<hbm>> -> memref<400x128xf32, #tpu.memory_space<hbm>>
        %dma_wait3A_176 = arith.constant 0 : i32
        %dma_wait3A_177 = tpu.memref_slice %arg2[%add3A_161, %dma_wait3A_176] : memref<320000x128xf32, #tpu.memory_space<hbm>> -> memref<400x128xf32, #tpu.memory_space<hbm>>
        tpu.wait_dma2 semaphore(%run_scoped3A : memref<!tpu.dma_semaphore, #tpu.memory_space<semaphore_mem>>) src(%dma_wait3A_177 : memref<400x128xf32, #tpu.memory_space<hbm>>) dst(%arg8 : memref<400x128xf32, #tpu.memory_space<vmem>>)
        tpu.yield
      }) : () -> ()
      "tpu.region"() ({
        %run_scoped3A = tpu.sem_alloc : memref<!tpu.dma_semaphore, #tpu.memory_space<semaphore_mem>>
        %dma_start3A_170 = tpu.memref_slice %arg3[%add3A_161] : memref<320000xi32, #tpu.memory_space<hbm>> -> memref<400xi32, #tpu.memory_space<hbm>>
        %dma_start3A_171 = tpu.memref_slice %arg3[%add3A_161] : memref<320000xi32, #tpu.memory_space<hbm>> -> memref<400xi32, #tpu.memory_space<hbm>>
        tpu.enqueue_dma source(%dma_start3A_171 : memref<400xi32, #tpu.memory_space<hbm>>) target(%arg9 : memref<400xi32, #tpu.memory_space<vmem>>) target_semaphore(%run_scoped3A : memref<!tpu.dma_semaphore, #tpu.memory_space<semaphore_mem>>)
        %dma_wait3A_172 = tpu.memref_slice %arg3[%add3A_161] : memref<320000xi32, #tpu.memory_space<hbm>> -> memref<400xi32, #tpu.memory_space<hbm>>
        %dma_wait3A_173 = tpu.memref_slice %arg3[%add3A_161] : memref<320000xi32, #tpu.memory_space<hbm>> -> memref<400xi32, #tpu.memory_space<hbm>>
        tpu.wait_dma2 semaphore(%run_scoped3A : memref<!tpu.dma_semaphore, #tpu.memory_space<semaphore_mem>>) src(%dma_wait3A_173 : memref<400xi32, #tpu.memory_space<hbm>>) dst(%arg9 : memref<400xi32, #tpu.memory_space<vmem>>)
        tpu.yield
      }) : () -> ()
      %gather3A = tpu.vector_load_idx %arg9[%broadcast_in_dim3A_90] : memref<400xi32, #tpu.memory_space<vmem>>[vector<16xi32>], vector<16xi32>,
      %eq3A_162 = arith.constant 0 : i32
      %eq3A_163 = arith.cmpi eq, %scan3A_145, %eq3A_162 : i32
      %select_n3A = arith.select %eq3A_163, %gather3A, %scan3A_154 : vector<16xi32>
      %scan3A_164 = arith.constant 0 : i32
      %scan3A_165 = arith.constant 400 : i32
      %scan3A_166 = arith.addi %scan3A_164, %scan3A_165 : i32
      %scan3A_167 = arith.constant 1 : i32
      %scan3A_168:11 = scf.for %scan3A_170 = %scan3A_164 to %scan3A_166 step %scan3A_167 iter_args(%scan3A_171 = %scan3A_146, %scan3A_172 = %scan3A_147, %scan3A_173 = %scan3A_148, %scan3A_174 = %scan3A_149, %scan3A_175 = %scan3A_150, %scan3A_176 = %scan3A_151, %scan3A_177 = %scan3A_152, %scan3A_178 = %scan3A_153, %scan3A_179 = %select_n3A, %scan3A_180 = %scan3A_155, %scan3A_181 = %scan3A_156) -> (vector<16xf32>, vector<16xf32>, vector<16xf32>, vector<16xf32>, vector<16xf32>, vector<16xf32>, vector<16xf32>, vector<16xf32>, vector<16xi32>, i32, i32)  : i32 {
        %broadcast_in_dim3A_182 = arith.constant 0 : i32
        %broadcast_in_dim3A_183 = vector.broadcast %broadcast_in_dim3A_182 : i32 to vector<16xi32>
        %add3A_184 = vector.broadcast %scan3A_170 : i32 to vector<16xi32>
        %add3A_185 = arith.addi %broadcast_in_dim3A_183, %add3A_184 : vector<16xi32>
        %gather3A_186 = tpu.vector_load_idx %arg9[%add3A_185] : memref<400xi32, #tpu.memory_space<vmem>>[vector<16xi32>], vector<16xi32>,
        %add3A_187 = arith.constant 0 : i32
        %add3A_188 = vector.broadcast %add3A_187 : i32 to vector<16xi32>
        %add3A_189 = arith.addi %add3A_188, %iota3A : vector<16xi32>
        %gather3A_190 = tpu.vector_load_idx %arg8[%add3A_185, %add3A_189] : memref<400x128xf32, #tpu.memory_space<vmem>>[vector<16xi32>, vector<16xi32>], vector<16xf32>,
        %add3A_191 = arith.constant 16 : i32
        %add3A_192 = vector.broadcast %add3A_191 : i32 to vector<16xi32>
        %add3A_193 = arith.addi %add3A_192, %iota3A : vector<16xi32>
        %gather3A_194 = tpu.vector_load_idx %arg8[%add3A_185, %add3A_193] : memref<400x128xf32, #tpu.memory_space<vmem>>[vector<16xi32>, vector<16xi32>], vector<16xf32>,
        %add3A_195 = arith.constant 32 : i32
        %add3A_196 = vector.broadcast %add3A_195 : i32 to vector<16xi32>
        %add3A_197 = arith.addi %add3A_196, %iota3A : vector<16xi32>
        %gather3A_198 = tpu.vector_load_idx %arg8[%add3A_185, %add3A_197] : memref<400x128xf32, #tpu.memory_space<vmem>>[vector<16xi32>, vector<16xi32>], vector<16xf32>,
        %add3A_199 = arith.constant 48 : i32
        %add3A_200 = vector.broadcast %add3A_199 : i32 to vector<16xi32>
        %add3A_201 = arith.addi %add3A_200, %iota3A : vector<16xi32>
        %gather3A_202 = tpu.vector_load_idx %arg8[%add3A_185, %add3A_201] : memref<400x128xf32, #tpu.memory_space<vmem>>[vector<16xi32>, vector<16xi32>], vector<16xf32>,
        %add3A_203 = arith.constant 64 : i32
        %add3A_204 = vector.broadcast %add3A_203 : i32 to vector<16xi32>
        %add3A_205 = arith.addi %add3A_204, %iota3A : vector<16xi32>
        %gather3A_206 = tpu.vector_load_idx %arg8[%add3A_185, %add3A_205] : memref<400x128xf32, #tpu.memory_space<vmem>>[vector<16xi32>, vector<16xi32>], vector<16xf32>,
        %add3A_207 = arith.constant 80 : i32
        %add3A_208 = vector.broadcast %add3A_207 : i32 to vector<16xi32>
        %add3A_209 = arith.addi %add3A_208, %iota3A : vector<16xi32>
        %gather3A_210 = tpu.vector_load_idx %arg8[%add3A_185, %add3A_209] : memref<400x128xf32, #tpu.memory_space<vmem>>[vector<16xi32>, vector<16xi32>], vector<16xf32>,
        %add3A_211 = arith.constant 96 : i32
        %add3A_212 = vector.broadcast %add3A_211 : i32 to vector<16xi32>
        %add3A_213 = arith.addi %add3A_212, %iota3A : vector<16xi32>
        %gather3A_214 = tpu.vector_load_idx %arg8[%add3A_185, %add3A_213] : memref<400x128xf32, #tpu.memory_space<vmem>>[vector<16xi32>, vector<16xi32>], vector<16xf32>,
        %add3A_215 = arith.constant 112 : i32
        %add3A_216 = vector.broadcast %add3A_215 : i32 to vector<16xi32>
        %add3A_217 = arith.addi %add3A_216, %iota3A : vector<16xi32>
        %gather3A_218 = tpu.vector_load_idx %arg8[%add3A_185, %add3A_217] : memref<400x128xf32, #tpu.memory_space<vmem>>[vector<16xi32>, vector<16xi32>], vector<16xf32>,
        %eq3A_219 = arith.cmpi eq, %gather3A_186, %scan3A_179 : vector<16xi32>
        %reduce_and3A = arith.constant 1.000000e+00 : f32
        %reduce_and3A_220 = arith.constant 0.000000e+00 : f32
        %reduce_and3A_221 = vector.broadcast %reduce_and3A : f32 to vector<16xf32>
        %reduce_and3A_222 = vector.broadcast %reduce_and3A_220 : f32 to vector<16xf32>
        %reduce_and3A_223 = arith.select %eq3A_219, %reduce_and3A_221, %reduce_and3A_222 : vector<16xi1>, vector<16xf32>
        %reduce_and3A_224 = arith.constant true
        %reduce_and3A_225 = vector.broadcast %reduce_and3A_224 : i1 to vector<16xi1>
        %reduce_and3A_226 = tpu.scan <min>, %reduce_and3A_223 masked %reduce_and3A_225 : vector<16xf32>, vector<16xi1> -> vector<16xf32>
        %reduce_and3A_227 = vector.extract %reduce_and3A_226[15] : f32 from vector<16xf32>
        %reduce_and3A_228 = arith.constant 0.000000e+00 : f32
        %reduce_and3A_229 = arith.cmpf ogt, %reduce_and3A_227, %reduce_and3A_228 : f32
        %not3A = arith.constant true
        %not3A_230 = arith.xori %reduce_and3A_229, %not3A : i1
        %eq3A_231 = arith.constant 0 : i32
        %eq3A_232 = arith.cmpi eq, %scan3A_181, %eq3A_231 : i32
        %and3A = arith.andi %not3A_230, %eq3A_232 : i1
        %convert_element_type3A_233 = arith.extui %and3A : i1 to i32
        %cond3A_234 = arith.constant 0 : i32
        %cond3A_235 = arith.cmpi ne, %convert_element_type3A_233, %cond3A_234 : i32
        scf.if %cond3A_235 {
          %swap3A_268 = arith.constant 0 : i32
          %swap3A_269 = arith.index_cast %swap3A_268 : i32 to index
          %swap3A_270 = arith.constant 0 : index
          %swap3A_271 = tpu.vector_load %arg12[%swap3A_269, %swap3A_270] {strides = array<i32>} : memref<2x128xf32, #tpu.memory_space<vmem>>, vector<16xf32>,
          tpu.vector_store %arg12[%swap3A_269, %swap3A_270], %scan3A_171 {strides = array<i32>} : memref<2x128xf32, #tpu.memory_space<vmem>>, vector<16xf32>,
          %swap3A_272 = arith.constant 0 : i32
          %swap3A_273 = arith.index_cast %swap3A_272 : i32 to index
          %swap3A_274 = arith.constant 16 : index
          %swap3A_275 = tpu.vector_load %arg12[%swap3A_273, %swap3A_274] {strides = array<i32>} : memref<2x128xf32, #tpu.memory_space<vmem>>, vector<16xf32>,
          tpu.vector_store %arg12[%swap3A_273, %swap3A_274], %scan3A_172 {strides = array<i32>} : memref<2x128xf32, #tpu.memory_space<vmem>>, vector<16xf32>,
          %swap3A_276 = arith.constant 0 : i32
          %swap3A_277 = arith.index_cast %swap3A_276 : i32 to index
          %swap3A_278 = arith.constant 32 : index
          %swap3A_279 = tpu.vector_load %arg12[%swap3A_277, %swap3A_278] {strides = array<i32>} : memref<2x128xf32, #tpu.memory_space<vmem>>, vector<16xf32>,
          tpu.vector_store %arg12[%swap3A_277, %swap3A_278], %scan3A_173 {strides = array<i32>} : memref<2x128xf32, #tpu.memory_space<vmem>>, vector<16xf32>,
          %swap3A_280 = arith.constant 0 : i32
          %swap3A_281 = arith.index_cast %swap3A_280 : i32 to index
          %swap3A_282 = arith.constant 48 : index
          %swap3A_283 = tpu.vector_load %arg12[%swap3A_281, %swap3A_282] {strides = array<i32>} : memref<2x128xf32, #tpu.memory_space<vmem>>, vector<16xf32>,
          tpu.vector_store %arg12[%swap3A_281, %swap3A_282], %scan3A_174 {strides = array<i32>} : memref<2x128xf32, #tpu.memory_space<vmem>>, vector<16xf32>,
          %swap3A_284 = arith.constant 0 : i32
          %swap3A_285 = arith.index_cast %swap3A_284 : i32 to index
          %swap3A_286 = arith.constant 64 : index
          %swap3A_287 = tpu.vector_load %arg12[%swap3A_285, %swap3A_286] {strides = array<i32>} : memref<2x128xf32, #tpu.memory_space<vmem>>, vector<16xf32>,
          tpu.vector_store %arg12[%swap3A_285, %swap3A_286], %scan3A_175 {strides = array<i32>} : memref<2x128xf32, #tpu.memory_space<vmem>>, vector<16xf32>,
          %swap3A_288 = arith.constant 0 : i32
          %swap3A_289 = arith.index_cast %swap3A_288 : i32 to index
          %swap3A_290 = arith.constant 80 : index
          %swap3A_291 = tpu.vector_load %arg12[%swap3A_289, %swap3A_290] {strides = array<i32>} : memref<2x128xf32, #tpu.memory_space<vmem>>, vector<16xf32>,
          tpu.vector_store %arg12[%swap3A_289, %swap3A_290], %scan3A_176 {strides = array<i32>} : memref<2x128xf32, #tpu.memory_space<vmem>>, vector<16xf32>,
          %swap3A_292 = arith.constant 0 : i32
          %swap3A_293 = arith.index_cast %swap3A_292 : i32 to index
          %swap3A_294 = arith.constant 96 : index
          %swap3A_295 = tpu.vector_load %arg12[%swap3A_293, %swap3A_294] {strides = array<i32>} : memref<2x128xf32, #tpu.memory_space<vmem>>, vector<16xf32>,
          tpu.vector_store %arg12[%swap3A_293, %swap3A_294], %scan3A_177 {strides = array<i32>} : memref<2x128xf32, #tpu.memory_space<vmem>>, vector<16xf32>,
          %swap3A_296 = arith.constant 0 : i32
          %swap3A_297 = arith.index_cast %swap3A_296 : i32 to index
          %swap3A_298 = arith.constant 112 : index
          %swap3A_299 = tpu.vector_load %arg12[%swap3A_297, %swap3A_298] {strides = array<i32>} : memref<2x128xf32, #tpu.memory_space<vmem>>, vector<16xf32>,
          tpu.vector_store %arg12[%swap3A_297, %swap3A_298], %scan3A_178 {strides = array<i32>} : memref<2x128xf32, #tpu.memory_space<vmem>>, vector<16xf32>,
          %swap3A_300 = arith.constant 0 : i32
          %swap3A_301 = arith.index_cast %swap3A_300 : i32 to index
          %swap3A_302 = arith.constant 0 : index
          %swap3A_303 = tpu.vector_load %arg13[%swap3A_301, %swap3A_302] {strides = array<i32>} : memref<2x16xi32, #tpu.memory_space<vmem>>, vector<16xi32>,
          tpu.vector_store %arg13[%swap3A_301, %swap3A_302], %scan3A_179 {strides = array<i32>} : memref<2x16xi32, #tpu.memory_space<vmem>>, vector<16xi32>,
        } else {
        }
        %ne3A = arith.constant 0 : i32
        %ne3A_236 = arith.cmpi ne, %scan3A_181, %ne3A : i32
        %and3A_237 = arith.andi %not3A_230, %ne3A_236 : i1
        %convert_element_type3A_238 = arith.extui %and3A_237 : i1 to i32
        %cond3A_239 = arith.constant 0 : i32
        %cond3A_240 = arith.cmpi ne, %convert_element_type3A_238, %cond3A_239 : i32
        scf.if %cond3A_240 {
          %broadcast_in_dim3A_268 = arith.constant 0 : i32
          %broadcast_in_dim3A_269 = vector.broadcast %broadcast_in_dim3A_268 : i32 to vector<16xi32>
          %add3A_270 = vector.broadcast %scan3A_180 : i32 to vector<16xi32>
          %add3A_271 = arith.addi %broadcast_in_dim3A_269, %add3A_270 : vector<16xi32>
          %add3A_272 = arith.constant 0 : i32
          %add3A_273 = vector.broadcast %add3A_272 : i32 to vector<16xi32>
          %add3A_274 = arith.addi %add3A_273, %iota3A : vector<16xi32>
          tpu.vector_store_idx %arg10[%add3A_271, %add3A_274], %scan3A_171 : memref<128x128xf32, #tpu.memory_space<vmem>>[vector<16xi32>, vector<16xi32>], vector<16xf32>,
          %add3A_275 = arith.constant 16 : i32
          %add3A_276 = vector.broadcast %add3A_275 : i32 to vector<16xi32>
          %add3A_277 = arith.addi %add3A_276, %iota3A : vector<16xi32>
          tpu.vector_store_idx %arg10[%add3A_271, %add3A_277], %scan3A_172 : memref<128x128xf32, #tpu.memory_space<vmem>>[vector<16xi32>, vector<16xi32>], vector<16xf32>,
          %add3A_278 = arith.constant 32 : i32
          %add3A_279 = vector.broadcast %add3A_278 : i32 to vector<16xi32>
          %add3A_280 = arith.addi %add3A_279, %iota3A : vector<16xi32>
          tpu.vector_store_idx %arg10[%add3A_271, %add3A_280], %scan3A_173 : memref<128x128xf32, #tpu.memory_space<vmem>>[vector<16xi32>, vector<16xi32>], vector<16xf32>,
          %add3A_281 = arith.constant 48 : i32
          %add3A_282 = vector.broadcast %add3A_281 : i32 to vector<16xi32>
          %add3A_283 = arith.addi %add3A_282, %iota3A : vector<16xi32>
          tpu.vector_store_idx %arg10[%add3A_271, %add3A_283], %scan3A_174 : memref<128x128xf32, #tpu.memory_space<vmem>>[vector<16xi32>, vector<16xi32>], vector<16xf32>,
          %add3A_284 = arith.constant 64 : i32
          %add3A_285 = vector.broadcast %add3A_284 : i32 to vector<16xi32>
          %add3A_286 = arith.addi %add3A_285, %iota3A : vector<16xi32>
          tpu.vector_store_idx %arg10[%add3A_271, %add3A_286], %scan3A_175 : memref<128x128xf32, #tpu.memory_space<vmem>>[vector<16xi32>, vector<16xi32>], vector<16xf32>,
          %add3A_287 = arith.constant 80 : i32
          %add3A_288 = vector.broadcast %add3A_287 : i32 to vector<16xi32>
          %add3A_289 = arith.addi %add3A_288, %iota3A : vector<16xi32>
          tpu.vector_store_idx %arg10[%add3A_271, %add3A_289], %scan3A_176 : memref<128x128xf32, #tpu.memory_space<vmem>>[vector<16xi32>, vector<16xi32>], vector<16xf32>,
          %add3A_290 = arith.constant 96 : i32
          %add3A_291 = vector.broadcast %add3A_290 : i32 to vector<16xi32>
          %add3A_292 = arith.addi %add3A_291, %iota3A : vector<16xi32>
          tpu.vector_store_idx %arg10[%add3A_271, %add3A_292], %scan3A_177 : memref<128x128xf32, #tpu.memory_space<vmem>>[vector<16xi32>, vector<16xi32>], vector<16xf32>,
          %add3A_293 = arith.constant 112 : i32
          %add3A_294 = vector.broadcast %add3A_293 : i32 to vector<16xi32>
          %add3A_295 = arith.addi %add3A_294, %iota3A : vector<16xi32>
          tpu.vector_store_idx %arg10[%add3A_271, %add3A_295], %scan3A_178 : memref<128x128xf32, #tpu.memory_space<vmem>>[vector<16xi32>, vector<16xi32>], vector<16xf32>,
          tpu.vector_store_idx %arg11[%add3A_271], %scan3A_179 masked %eq3A_4 : memref<128xi32, #tpu.memory_space<vmem>>[vector<16xi32>], vector<16xi32>, vector<16xi1>
        } else {
        }
        %ne3A_241 = arith.constant 0 : i32
        %ne3A_242 = arith.cmpi ne, %scan3A_181, %ne3A_241 : i32
        %and3A_243 = arith.andi %not3A_230, %ne3A_242 : i1
        %convert_element_type3A_244 = arith.extui %and3A_243 : i1 to i32
        %add3A_245 = arith.addi %scan3A_180, %convert_element_type3A_244 : i32
        %ge3A = arith.constant 128 : i32
        %ge3A_246 = arith.cmpi sge, %add3A_245, %ge3A : i32
        %convert_element_type3A_247 = arith.extui %ge3A_246 : i1 to i32
        %cond3A_248 = arith.constant 0 : i32
        %cond3A_249 = arith.cmpi ne, %convert_element_type3A_247, %cond3A_248 : i32
        scf.if %cond3A_249 {
          %dma_start3A_268 = arith.constant 0 : i32
          %dma_start3A_269 = arith.constant 0 : i32
          %dma_start3A_270 = tpu.memref_slice %arg4[%dma_start3A_268, %dma_start3A_269] : memref<10272x128xf32, #tpu.memory_space<hbm>> -> memref<10272x128xf32, #tpu.memory_space<hbm>>
          tpu.enqueue_indirect_dma source(%arg10 : memref<128x128xf32, #tpu.memory_space<vmem>>) target(%dma_start3A_270 : memref<10272x128xf32, #tpu.memory_space<hbm>>) offsets(%arg11 : memref<128xi32, #tpu.memory_space<vmem>>) semaphore(%arg14 : memref<!tpu.dma_semaphore, #tpu.memory_space<semaphore_mem>>)
          %dma_wait3A_271 = arith.constant 0 : i32
          %dma_wait3A_272 = arith.constant 0 : i32
          %dma_wait3A_273 = tpu.memref_slice %arg4[%dma_wait3A_271, %dma_wait3A_272] : memref<10272x128xf32, #tpu.memory_space<hbm>> -> memref<10272x128xf32, #tpu.memory_space<hbm>>
          tpu.wait_indirect_dma semaphore(%arg14 : memref<!tpu.dma_semaphore, #tpu.memory_space<semaphore_mem>>) src(%arg10 : memref<128x128xf32, #tpu.memory_space<vmem>>) dst(%dma_wait3A_273 : memref<10272x128xf32, #tpu.memory_space<hbm>>)
          %swap3A_274 = arith.constant 0 : index
          %swap3A_275 = tpu.vector_load %arg11[%swap3A_274] {strides = array<i32>} : memref<128xi32, #tpu.memory_space<vmem>>, vector<16xi32>,
          tpu.vector_store %arg11[%swap3A_274], %add3A_7 {strides = array<i32>} : memref<128xi32, #tpu.memory_space<vmem>>, vector<16xi32>,
          %swap3A_276 = arith.constant 16 : index
          %swap3A_277 = tpu.vector_load %arg11[%swap3A_276] {strides = array<i32>} : memref<128xi32, #tpu.memory_space<vmem>>, vector<16xi32>,
          tpu.vector_store %arg11[%swap3A_276], %add3A_7 {strides = array<i32>} : memref<128xi32, #tpu.memory_space<vmem>>, vector<16xi32>,
          %swap3A_278 = arith.constant 32 : index
          %swap3A_279 = tpu.vector_load %arg11[%swap3A_278] {strides = array<i32>} : memref<128xi32, #tpu.memory_space<vmem>>, vector<16xi32>,
          tpu.vector_store %arg11[%swap3A_278], %add3A_7 {strides = array<i32>} : memref<128xi32, #tpu.memory_space<vmem>>, vector<16xi32>,
          %swap3A_280 = arith.constant 48 : index
          %swap3A_281 = tpu.vector_load %arg11[%swap3A_280] {strides = array<i32>} : memref<128xi32, #tpu.memory_space<vmem>>, vector<16xi32>,
          tpu.vector_store %arg11[%swap3A_280], %add3A_7 {strides = array<i32>} : memref<128xi32, #tpu.memory_space<vmem>>, vector<16xi32>,
          %swap3A_282 = arith.constant 64 : index
          %swap3A_283 = tpu.vector_load %arg11[%swap3A_282] {strides = array<i32>} : memref<128xi32, #tpu.memory_space<vmem>>, vector<16xi32>,
          tpu.vector_store %arg11[%swap3A_282], %add3A_7 {strides = array<i32>} : memref<128xi32, #tpu.memory_space<vmem>>, vector<16xi32>,
          %swap3A_284 = arith.constant 80 : index
          %swap3A_285 = tpu.vector_load %arg11[%swap3A_284] {strides = array<i32>} : memref<128xi32, #tpu.memory_space<vmem>>, vector<16xi32>,
          tpu.vector_store %arg11[%swap3A_284], %add3A_7 {strides = array<i32>} : memref<128xi32, #tpu.memory_space<vmem>>, vector<16xi32>,
          %swap3A_286 = arith.constant 96 : index
          %swap3A_287 = tpu.vector_load %arg11[%swap3A_286] {strides = array<i32>} : memref<128xi32, #tpu.memory_space<vmem>>, vector<16xi32>,
          tpu.vector_store %arg11[%swap3A_286], %add3A_7 {strides = array<i32>} : memref<128xi32, #tpu.memory_space<vmem>>, vector<16xi32>,
          %swap3A_288 = arith.constant 112 : index
          %swap3A_289 = tpu.vector_load %arg11[%swap3A_288] {strides = array<i32>} : memref<128xi32, #tpu.memory_space<vmem>>, vector<16xi32>,
          tpu.vector_store %arg11[%swap3A_288], %add3A_7 {strides = array<i32>} : memref<128xi32, #tpu.memory_space<vmem>>, vector<16xi32>,
        } else {
        }
        %jit3A = arith.constant 0 : i32
        %select_n3A_250 = arith.select %ge3A_246, %jit3A, %add3A_245 : i32
        %jit3A_251 = arith.constant 1 : i32
        %select_n3A_252 = arith.select %not3A_230, %jit3A_251, %scan3A_181 : i32
        %max3A = arith.maximumf %scan3A_171, %gather3A_190 : vector<16xf32>
        %select_n3A_253 = arith.select %eq3A_219, %max3A, %gather3A_190 : vector<16xi1>, vector<16xf32>
        %max3A_254 = arith.maximumf %scan3A_172, %gather3A_194 : vector<16xf32>
        %select_n3A_255 = arith.select %eq3A_219, %max3A_254, %gather3A_194 : vector<16xi1>, vector<16xf32>
        %max3A_256 = arith.maximumf %scan3A_173, %gather3A_198 : vector<16xf32>
        %select_n3A_257 = arith.select %eq3A_219, %max3A_256, %gather3A_198 : vector<16xi1>, vector<16xf32>
        %max3A_258 = arith.maximumf %scan3A_174, %gather3A_202 : vector<16xf32>
        %select_n3A_259 = arith.select %eq3A_219, %max3A_258, %gather3A_202 : vector<16xi1>, vector<16xf32>
        %max3A_260 = arith.maximumf %scan3A_175, %gather3A_206 : vector<16xf32>
        %select_n3A_261 = arith.select %eq3A_219, %max3A_260, %gather3A_206 : vector<16xi1>, vector<16xf32>
        %max3A_262 = arith.maximumf %scan3A_176, %gather3A_210 : vector<16xf32>
        %select_n3A_263 = arith.select %eq3A_219, %max3A_262, %gather3A_210 : vector<16xi1>, vector<16xf32>
        %max3A_264 = arith.maximumf %scan3A_177, %gather3A_214 : vector<16xf32>
        %select_n3A_265 = arith.select %eq3A_219, %max3A_264, %gather3A_214 : vector<16xi1>, vector<16xf32>
        %max3A_266 = arith.maximumf %scan3A_178, %gather3A_218 : vector<16xf32>
        %select_n3A_267 = arith.select %eq3A_219, %max3A_266, %gather3A_218 : vector<16xi1>, vector<16xf32>
        scf.yield %select_n3A_253, %select_n3A_255, %select_n3A_257, %select_n3A_259, %select_n3A_261, %select_n3A_263, %select_n3A_265, %select_n3A_267, %gather3A_186, %select_n3A_250, %select_n3A_252 : vector<16xf32>, vector<16xf32>, vector<16xf32>, vector<16xf32>, vector<16xf32>, vector<16xf32>, vector<16xf32>, vector<16xf32>, vector<16xi32>, i32, i32
      }
      %scan3A_169 = arith.constant 400 : i32
      scf.yield %scan3A_168#0, %scan3A_168#1, %scan3A_168#2, %scan3A_168#3, %scan3A_168#4, %scan3A_168#5, %scan3A_168#6, %scan3A_168#7, %scan3A_168#8, %scan3A_168#9, %scan3A_168#10 : vector<16xf32>, vector<16xf32>, vector<16xf32>, vector<16xf32>, vector<16xf32>, vector<16xf32>, vector<16xf32>, vector<16xf32>, vector<16xi32>, i32, i32
    }
    %scan3A_97 = arith.constant 25 : i32
    %dma_start3A = arith.constant 0 : i32
    %dma_start3A_98 = arith.constant 0 : i32
    %dma_start3A_99 = tpu.memref_slice %arg4[%dma_start3A, %dma_start3A_98] : memref<10272x128xf32, #tpu.memory_space<hbm>> -> memref<10272x128xf32, #tpu.memory_space<hbm>>
    tpu.enqueue_indirect_dma source(%arg10 : memref<128x128xf32, #tpu.memory_space<vmem>>) target(%dma_start3A_99 : memref<10272x128xf32, #tpu.memory_space<hbm>>) offsets(%arg11 : memref<128xi32, #tpu.memory_space<vmem>>) semaphore(%arg14 : memref<!tpu.dma_semaphore, #tpu.memory_space<semaphore_mem>>)
    %dma_wait3A = arith.constant 0 : i32
    %dma_wait3A_100 = arith.constant 0 : i32
    %dma_wait3A_101 = tpu.memref_slice %arg4[%dma_wait3A, %dma_wait3A_100] : memref<10272x128xf32, #tpu.memory_space<hbm>> -> memref<10272x128xf32, #tpu.memory_space<hbm>>
    tpu.wait_indirect_dma semaphore(%arg14 : memref<!tpu.dma_semaphore, #tpu.memory_space<semaphore_mem>>) src(%arg10 : memref<128x128xf32, #tpu.memory_space<vmem>>) dst(%dma_wait3A_101 : memref<10272x128xf32, #tpu.memory_space<hbm>>)
    %swap3A_102 = arith.constant 1 : i32
    %swap3A_103 = arith.index_cast %swap3A_102 : i32 to index
    %swap3A_104 = arith.constant 0 : index
    %swap3A_105 = tpu.vector_load %arg12[%swap3A_103, %swap3A_104] {strides = array<i32>} : memref<2x128xf32, #tpu.memory_space<vmem>>, vector<16xf32>,
    tpu.vector_store %arg12[%swap3A_103, %swap3A_104], %scan3A_96#0 {strides = array<i32>} : memref<2x128xf32, #tpu.memory_space<vmem>>, vector<16xf32>,
    %swap3A_106 = arith.constant 1 : i32
    %swap3A_107 = arith.index_cast %swap3A_106 : i32 to index
    %swap3A_108 = arith.constant 16 : index
    %swap3A_109 = tpu.vector_load %arg12[%swap3A_107, %swap3A_108] {strides = array<i32>} : memref<2x128xf32, #tpu.memory_space<vmem>>, vector<16xf32>,
    tpu.vector_store %arg12[%swap3A_107, %swap3A_108], %scan3A_96#1 {strides = array<i32>} : memref<2x128xf32, #tpu.memory_space<vmem>>, vector<16xf32>,
    %swap3A_110 = arith.constant 1 : i32
    %swap3A_111 = arith.index_cast %swap3A_110 : i32 to index
    %swap3A_112 = arith.constant 32 : index
    %swap3A_113 = tpu.vector_load %arg12[%swap3A_111, %swap3A_112] {strides = array<i32>} : memref<2x128xf32, #tpu.memory_space<vmem>>, vector<16xf32>,
    tpu.vector_store %arg12[%swap3A_111, %swap3A_112], %scan3A_96#2 {strides = array<i32>} : memref<2x128xf32, #tpu.memory_space<vmem>>, vector<16xf32>,
    %swap3A_114 = arith.constant 1 : i32
    %swap3A_115 = arith.index_cast %swap3A_114 : i32 to index
    %swap3A_116 = arith.constant 48 : index
    %swap3A_117 = tpu.vector_load %arg12[%swap3A_115, %swap3A_116] {strides = array<i32>} : memref<2x128xf32, #tpu.memory_space<vmem>>, vector<16xf32>,
    tpu.vector_store %arg12[%swap3A_115, %swap3A_116], %scan3A_96#3 {strides = array<i32>} : memref<2x128xf32, #tpu.memory_space<vmem>>, vector<16xf32>,
    %swap3A_118 = arith.constant 1 : i32
    %swap3A_119 = arith.index_cast %swap3A_118 : i32 to index
    %swap3A_120 = arith.constant 64 : index
    %swap3A_121 = tpu.vector_load %arg12[%swap3A_119, %swap3A_120] {strides = array<i32>} : memref<2x128xf32, #tpu.memory_space<vmem>>, vector<16xf32>,
    tpu.vector_store %arg12[%swap3A_119, %swap3A_120], %scan3A_96#4 {strides = array<i32>} : memref<2x128xf32, #tpu.memory_space<vmem>>, vector<16xf32>,
    %swap3A_122 = arith.constant 1 : i32
    %swap3A_123 = arith.index_cast %swap3A_122 : i32 to index
    %swap3A_124 = arith.constant 80 : index
    %swap3A_125 = tpu.vector_load %arg12[%swap3A_123, %swap3A_124] {strides = array<i32>} : memref<2x128xf32, #tpu.memory_space<vmem>>, vector<16xf32>,
    tpu.vector_store %arg12[%swap3A_123, %swap3A_124], %scan3A_96#5 {strides = array<i32>} : memref<2x128xf32, #tpu.memory_space<vmem>>, vector<16xf32>,
    %swap3A_126 = arith.constant 1 : i32
    %swap3A_127 = arith.index_cast %swap3A_126 : i32 to index
    %swap3A_128 = arith.constant 96 : index
    %swap3A_129 = tpu.vector_load %arg12[%swap3A_127, %swap3A_128] {strides = array<i32>} : memref<2x128xf32, #tpu.memory_space<vmem>>, vector<16xf32>,
    tpu.vector_store %arg12[%swap3A_127, %swap3A_128], %scan3A_96#6 {strides = array<i32>} : memref<2x128xf32, #tpu.memory_space<vmem>>, vector<16xf32>,
    %swap3A_130 = arith.constant 1 : i32
    %swap3A_131 = arith.index_cast %swap3A_130 : i32 to index
    %swap3A_132 = arith.constant 112 : index
    %swap3A_133 = tpu.vector_load %arg12[%swap3A_131, %swap3A_132] {strides = array<i32>} : memref<2x128xf32, #tpu.memory_space<vmem>>, vector<16xf32>,
    tpu.vector_store %arg12[%swap3A_131, %swap3A_132], %scan3A_96#7 {strides = array<i32>} : memref<2x128xf32, #tpu.memory_space<vmem>>, vector<16xf32>,
    %swap3A_134 = arith.constant 1 : i32
    %swap3A_135 = arith.index_cast %swap3A_134 : i32 to index
    %swap3A_136 = arith.constant 0 : index
    %swap3A_137 = tpu.vector_load %arg13[%swap3A_135, %swap3A_136] {strides = array<i32>} : memref<2x16xi32, #tpu.memory_space<vmem>>, vector<16xi32>,
    tpu.vector_store %arg13[%swap3A_135, %swap3A_136], %scan3A_96#8 {strides = array<i32>} : memref<2x16xi32, #tpu.memory_space<vmem>>, vector<16xi32>,
    %eq3A_138 = arith.constant 0 : i32
    %eq3A_139 = arith.cmpi eq, %scan3A_96#10, %eq3A_138 : i32
    %convert_element_type3A = arith.extui %eq3A_139 : i1 to i32
    %cond3A = arith.constant 0 : i32
    %cond3A_140 = arith.cmpi ne, %convert_element_type3A, %cond3A : i32
    scf.if %cond3A_140 {
      %swap3A_145 = arith.constant 0 : i32
      %swap3A_146 = arith.index_cast %swap3A_145 : i32 to index
      %swap3A_147 = arith.constant 0 : index
      %swap3A_148 = tpu.vector_load %arg13[%swap3A_146, %swap3A_147] {strides = array<i32>} : memref<2x16xi32, #tpu.memory_space<vmem>>, vector<16xi32>,
      tpu.vector_store %arg13[%swap3A_146, %swap3A_147], %scan3A_96#8 {strides = array<i32>} : memref<2x16xi32, #tpu.memory_space<vmem>>, vector<16xi32>,
    } else {
    }
    %mul3A_141 = arith.constant 2 : i32
    %mul3A_142 = arith.muli %mul3A_141, %add3A : i32
    "tpu.region"() ({
      %run_scoped3A = tpu.sem_alloc : memref<!tpu.dma_semaphore, #tpu.memory_space<semaphore_mem>>
      %dma_start3A_145 = arith.constant 0 : i32
      %dma_start3A_146 = tpu.memref_slice %arg5[%mul3A_142, %dma_start3A_145] : memref<64x128xf32, #tpu.memory_space<hbm>> -> memref<2x128xf32, #tpu.memory_space<hbm>>
      %dma_start3A_147 = arith.constant 0 : i32
      %dma_start3A_148 = tpu.memref_slice %arg5[%mul3A_142, %dma_start3A_147] : memref<64x128xf32, #tpu.memory_space<hbm>> -> memref<2x128xf32, #tpu.memory_space<hbm>>
      tpu.enqueue_dma source(%arg12 : memref<2x128xf32, #tpu.memory_space<vmem>>) target(%dma_start3A_148 : memref<2x128xf32, #tpu.memory_space<hbm>>) target_semaphore(%run_scoped3A : memref<!tpu.dma_semaphore, #tpu.memory_space<semaphore_mem>>)
      %dma_wait3A_149 = arith.constant 0 : i32
      %dma_wait3A_150 = tpu.memref_slice %arg5[%mul3A_142, %dma_wait3A_149] : memref<64x128xf32, #tpu.memory_space<hbm>> -> memref<2x128xf32, #tpu.memory_space<hbm>>
      %dma_wait3A_151 = arith.constant 0 : i32
      %dma_wait3A_152 = tpu.memref_slice %arg5[%mul3A_142, %dma_wait3A_151] : memref<64x128xf32, #tpu.memory_space<hbm>> -> memref<2x128xf32, #tpu.memory_space<hbm>>
      tpu.wait_dma2 semaphore(%run_scoped3A : memref<!tpu.dma_semaphore, #tpu.memory_space<semaphore_mem>>) src(%arg12 : memref<2x128xf32, #tpu.memory_space<vmem>>) dst(%dma_wait3A_152 : memref<2x128xf32, #tpu.memory_space<hbm>>)
      tpu.yield
    }) : () -> ()
    %mul3A_143 = arith.constant 2 : i32
    %mul3A_144 = arith.muli %mul3A_143, %add3A : i32
    "tpu.region"() ({
      %run_scoped3A = tpu.sem_alloc : memref<!tpu.dma_semaphore, #tpu.memory_space<semaphore_mem>>
      %dma_start3A_145 = arith.constant 0 : i32
      %dma_start3A_146 = tpu.memref_slice %arg6[%mul3A_144, %dma_start3A_145] : memref<64x16xi32, #tpu.memory_space<hbm>> -> memref<2x16xi32, #tpu.memory_space<hbm>>
      %dma_start3A_147 = arith.constant 0 : i32
      %dma_start3A_148 = tpu.memref_slice %arg6[%mul3A_144, %dma_start3A_147] : memref<64x16xi32, #tpu.memory_space<hbm>> -> memref<2x16xi32, #tpu.memory_space<hbm>>
      tpu.enqueue_dma source(%arg13 : memref<2x16xi32, #tpu.memory_space<vmem>>) target(%dma_start3A_148 : memref<2x16xi32, #tpu.memory_space<hbm>>) target_semaphore(%run_scoped3A : memref<!tpu.dma_semaphore, #tpu.memory_space<semaphore_mem>>)
      %dma_wait3A_149 = arith.constant 0 : i32
      %dma_wait3A_150 = tpu.memref_slice %arg6[%mul3A_144, %dma_wait3A_149] : memref<64x16xi32, #tpu.memory_space<hbm>> -> memref<2x16xi32, #tpu.memory_space<hbm>>
      %dma_wait3A_151 = arith.constant 0 : i32
      %dma_wait3A_152 = tpu.memref_slice %arg6[%mul3A_144, %dma_wait3A_151] : memref<64x16xi32, #tpu.memory_space<hbm>> -> memref<2x16xi32, #tpu.memory_space<hbm>>
      tpu.wait_dma2 semaphore(%run_scoped3A : memref<!tpu.dma_semaphore, #tpu.memory_space<semaphore_mem>>) src(%arg13 : memref<2x16xi32, #tpu.memory_space<vmem>>) dst(%dma_wait3A_152 : memref<2x16xi32, #tpu.memory_space<hbm>>)
      tpu.yield
    }) : () -> ()
    return
  }
}

#map = affine_map<(d0, d1) -> (0, 0)>
module attributes {stable_mosaic.version = 14 : i64} {
  func.func @new_body(%arg0: i32, %arg1: i32, %arg2: memref<128x128xf32, #tpu.memory_space<hbm>>, %arg3: memref<128x16xi32, #tpu.memory_space<hbm>>, %arg4: memref<10272x128xf32, #tpu.memory_space<hbm>>, %arg5: memref<10272x128xf32, #tpu.memory_space<hbm>>, %arg6: memref<128x128xf32, #tpu.memory_space<vmem>>, %arg7: memref<128x16xi32, #tpu.memory_space<vmem>>, %arg8: memref<128xi32, #tpu.memory_space<vmem>>, %arg9: memref<128x128xf32, #tpu.memory_space<vmem>>, %arg10: memref<!tpu.dma_semaphore, #tpu.memory_space<semaphore_mem>>) attributes {dimension_semantics = [#tpu.dimension_semantics<core_parallel>, #tpu.dimension_semantics<subcore_parallel>], iteration_bounds = array<i64: 2, 16>, scalar_prefetch = 0 : i64, scratch_operands = 5 : i64, tpu.core_type = #tpu.core_type<sc_vector_subcore>, window_params = [{transform_indices = #map}, {transform_indices = #map}, {transform_indices = #map}, {transform_indices = #map}]} {
    %mul3A = arith.constant 2 : i32
    %mul3A_0 = arith.muli %arg1, %mul3A : i32
    %add3A = arith.addi %mul3A_0, %arg0 : i32
    %eq3A = arith.constant 0 : i32
    %eq3A_1 = arith.cmpi eq, %add3A, %eq3A : i32
    %convert_element_type3A = arith.extui %eq3A_1 : i1 to i32
    %cond3A = arith.constant 0 : i32
    %cond3A_2 = arith.cmpi ne, %convert_element_type3A, %cond3A : i32
    scf.if %cond3A_2 {
      "tpu.region"() ({
        %run_scoped3A = tpu.sem_alloc : memref<!tpu.dma_semaphore, #tpu.memory_space<semaphore_mem>>
        tpu.enqueue_dma source(%arg2 : memref<128x128xf32, #tpu.memory_space<hbm>>) target(%arg6 : memref<128x128xf32, #tpu.memory_space<vmem>>) target_semaphore(%run_scoped3A : memref<!tpu.dma_semaphore, #tpu.memory_space<semaphore_mem>>)
        tpu.wait_dma2 semaphore(%run_scoped3A : memref<!tpu.dma_semaphore, #tpu.memory_space<semaphore_mem>>) src(%arg2 : memref<128x128xf32, #tpu.memory_space<hbm>>) dst(%arg6 : memref<128x128xf32, #tpu.memory_space<vmem>>)
        tpu.yield
      }) : () -> ()
      "tpu.region"() ({
        %run_scoped3A = tpu.sem_alloc : memref<!tpu.dma_semaphore, #tpu.memory_space<semaphore_mem>>
        tpu.enqueue_dma source(%arg3 : memref<128x16xi32, #tpu.memory_space<hbm>>) target(%arg7 : memref<128x16xi32, #tpu.memory_space<vmem>>) target_semaphore(%run_scoped3A : memref<!tpu.dma_semaphore, #tpu.memory_space<semaphore_mem>>)
        tpu.wait_dma2 semaphore(%run_scoped3A : memref<!tpu.dma_semaphore, #tpu.memory_space<semaphore_mem>>) src(%arg3 : memref<128x16xi32, #tpu.memory_space<hbm>>) dst(%arg7 : memref<128x16xi32, #tpu.memory_space<vmem>>)
        tpu.yield
      }) : () -> ()
      %iota3A = tpu.iota {dimensions = array<i32: 0>} : vector<16xi32>
      %broadcast_in_dim3A = arith.constant 0 : i32
      %broadcast_in_dim3A_3 = vector.broadcast %broadcast_in_dim3A : i32 to vector<16xi32>
      %add3A_4 = arith.constant 0 : i32
      %add3A_5 = vector.broadcast %add3A_4 : i32 to vector<16xi32>
      %add3A_6 = arith.addi %add3A_5, %iota3A : vector<16xi32>
      %gather3A = tpu.vector_load_idx %arg7[%add3A_6, %broadcast_in_dim3A_3] : memref<128x16xi32, #tpu.memory_space<vmem>>[vector<16xi32>, vector<16xi32>], vector<16xi32>,
      %swap3A = arith.constant 0 : index
      %swap3A_7 = tpu.vector_load %arg8[%swap3A] {strides = array<i32>} : memref<128xi32, #tpu.memory_space<vmem>>, vector<16xi32>,
      tpu.vector_store %arg8[%swap3A], %gather3A {strides = array<i32>} : memref<128xi32, #tpu.memory_space<vmem>>, vector<16xi32>,
      %add3A_8 = arith.constant 16 : i32
      %add3A_9 = vector.broadcast %add3A_8 : i32 to vector<16xi32>
      %add3A_10 = arith.addi %add3A_9, %iota3A : vector<16xi32>
      %gather3A_11 = tpu.vector_load_idx %arg7[%add3A_10, %broadcast_in_dim3A_3] : memref<128x16xi32, #tpu.memory_space<vmem>>[vector<16xi32>, vector<16xi32>], vector<16xi32>,
      %swap3A_12 = arith.constant 16 : index
      %swap3A_13 = tpu.vector_load %arg8[%swap3A_12] {strides = array<i32>} : memref<128xi32, #tpu.memory_space<vmem>>, vector<16xi32>,
      tpu.vector_store %arg8[%swap3A_12], %gather3A_11 {strides = array<i32>} : memref<128xi32, #tpu.memory_space<vmem>>, vector<16xi32>,
      %add3A_14 = arith.constant 32 : i32
      %add3A_15 = vector.broadcast %add3A_14 : i32 to vector<16xi32>
      %add3A_16 = arith.addi %add3A_15, %iota3A : vector<16xi32>
      %gather3A_17 = tpu.vector_load_idx %arg7[%add3A_16, %broadcast_in_dim3A_3] : memref<128x16xi32, #tpu.memory_space<vmem>>[vector<16xi32>, vector<16xi32>], vector<16xi32>,
      %swap3A_18 = arith.constant 32 : index
      %swap3A_19 = tpu.vector_load %arg8[%swap3A_18] {strides = array<i32>} : memref<128xi32, #tpu.memory_space<vmem>>, vector<16xi32>,
      tpu.vector_store %arg8[%swap3A_18], %gather3A_17 {strides = array<i32>} : memref<128xi32, #tpu.memory_space<vmem>>, vector<16xi32>,
      %add3A_20 = arith.constant 48 : i32
      %add3A_21 = vector.broadcast %add3A_20 : i32 to vector<16xi32>
      %add3A_22 = arith.addi %add3A_21, %iota3A : vector<16xi32>
      %gather3A_23 = tpu.vector_load_idx %arg7[%add3A_22, %broadcast_in_dim3A_3] : memref<128x16xi32, #tpu.memory_space<vmem>>[vector<16xi32>, vector<16xi32>], vector<16xi32>,
      %swap3A_24 = arith.constant 48 : index
      %swap3A_25 = tpu.vector_load %arg8[%swap3A_24] {strides = array<i32>} : memref<128xi32, #tpu.memory_space<vmem>>, vector<16xi32>,
      tpu.vector_store %arg8[%swap3A_24], %gather3A_23 {strides = array<i32>} : memref<128xi32, #tpu.memory_space<vmem>>, vector<16xi32>,
      %add3A_26 = arith.constant 64 : i32
      %add3A_27 = vector.broadcast %add3A_26 : i32 to vector<16xi32>
      %add3A_28 = arith.addi %add3A_27, %iota3A : vector<16xi32>
      %gather3A_29 = tpu.vector_load_idx %arg7[%add3A_28, %broadcast_in_dim3A_3] : memref<128x16xi32, #tpu.memory_space<vmem>>[vector<16xi32>, vector<16xi32>], vector<16xi32>,
      %swap3A_30 = arith.constant 64 : index
      %swap3A_31 = tpu.vector_load %arg8[%swap3A_30] {strides = array<i32>} : memref<128xi32, #tpu.memory_space<vmem>>, vector<16xi32>,
      tpu.vector_store %arg8[%swap3A_30], %gather3A_29 {strides = array<i32>} : memref<128xi32, #tpu.memory_space<vmem>>, vector<16xi32>,
      %add3A_32 = arith.constant 80 : i32
      %add3A_33 = vector.broadcast %add3A_32 : i32 to vector<16xi32>
      %add3A_34 = arith.addi %add3A_33, %iota3A : vector<16xi32>
      %gather3A_35 = tpu.vector_load_idx %arg7[%add3A_34, %broadcast_in_dim3A_3] : memref<128x16xi32, #tpu.memory_space<vmem>>[vector<16xi32>, vector<16xi32>], vector<16xi32>,
      %swap3A_36 = arith.constant 80 : index
      %swap3A_37 = tpu.vector_load %arg8[%swap3A_36] {strides = array<i32>} : memref<128xi32, #tpu.memory_space<vmem>>, vector<16xi32>,
      tpu.vector_store %arg8[%swap3A_36], %gather3A_35 {strides = array<i32>} : memref<128xi32, #tpu.memory_space<vmem>>, vector<16xi32>,
      %add3A_38 = arith.constant 96 : i32
      %add3A_39 = vector.broadcast %add3A_38 : i32 to vector<16xi32>
      %add3A_40 = arith.addi %add3A_39, %iota3A : vector<16xi32>
      %gather3A_41 = tpu.vector_load_idx %arg7[%add3A_40, %broadcast_in_dim3A_3] : memref<128x16xi32, #tpu.memory_space<vmem>>[vector<16xi32>, vector<16xi32>], vector<16xi32>,
      %swap3A_42 = arith.constant 96 : index
      %swap3A_43 = tpu.vector_load %arg8[%swap3A_42] {strides = array<i32>} : memref<128xi32, #tpu.memory_space<vmem>>, vector<16xi32>,
      tpu.vector_store %arg8[%swap3A_42], %gather3A_41 {strides = array<i32>} : memref<128xi32, #tpu.memory_space<vmem>>, vector<16xi32>,
      %add3A_44 = arith.constant 112 : i32
      %add3A_45 = vector.broadcast %add3A_44 : i32 to vector<16xi32>
      %add3A_46 = arith.addi %add3A_45, %iota3A : vector<16xi32>
      %gather3A_47 = tpu.vector_load_idx %arg7[%add3A_46, %broadcast_in_dim3A_3] : memref<128x16xi32, #tpu.memory_space<vmem>>[vector<16xi32>, vector<16xi32>], vector<16xi32>,
      %swap3A_48 = arith.constant 112 : index
      %swap3A_49 = tpu.vector_load %arg8[%swap3A_48] {strides = array<i32>} : memref<128xi32, #tpu.memory_space<vmem>>, vector<16xi32>,
      tpu.vector_store %arg8[%swap3A_48], %gather3A_47 {strides = array<i32>} : memref<128xi32, #tpu.memory_space<vmem>>, vector<16xi32>,
      %dma_start3A = arith.constant 0 : i32
      %dma_start3A_50 = arith.constant 0 : i32
      %dma_start3A_51 = tpu.memref_slice %arg4[%dma_start3A, %dma_start3A_50] : memref<10272x128xf32, #tpu.memory_space<hbm>> -> memref<10272x128xf32, #tpu.memory_space<hbm>>
      tpu.enqueue_indirect_dma source(%dma_start3A_51 : memref<10272x128xf32, #tpu.memory_space<hbm>>) target(%arg9 : memref<128x128xf32, #tpu.memory_space<vmem>>) offsets(%arg8 : memref<128xi32, #tpu.memory_space<vmem>>) semaphore(%arg10 : memref<!tpu.dma_semaphore, #tpu.memory_space<semaphore_mem>>)
      %dma_wait3A = arith.constant 0 : i32
      %dma_wait3A_52 = arith.constant 0 : i32
      %dma_wait3A_53 = tpu.memref_slice %arg4[%dma_wait3A, %dma_wait3A_52] : memref<10272x128xf32, #tpu.memory_space<hbm>> -> memref<10272x128xf32, #tpu.memory_space<hbm>>
      tpu.wait_indirect_dma semaphore(%arg10 : memref<!tpu.dma_semaphore, #tpu.memory_space<semaphore_mem>>) src(%dma_wait3A_53 : memref<10272x128xf32, #tpu.memory_space<hbm>>) dst(%arg9 : memref<128x128xf32, #tpu.memory_space<vmem>>)
      %scan3A = arith.constant 0 : i32
      %scan3A_54 = arith.constant 0 : i32
      %scan3A_55 = arith.constant 128 : i32
      %scan3A_56 = arith.addi %scan3A_54, %scan3A_55 : i32
      %scan3A_57 = arith.constant 1 : i32
      %scan3A_58 = scf.for %scan3A_66 = %scan3A_54 to %scan3A_56 step %scan3A_57 iter_args(%scan3A_67 = %scan3A) -> (i32)  : i32 {
        %broadcast_in_dim3A_68 = arith.constant 0 : i32
        %broadcast_in_dim3A_69 = vector.broadcast %broadcast_in_dim3A_68 : i32 to vector<16xi32>
        %add3A_70 = vector.broadcast %scan3A_66 : i32 to vector<16xi32>
        %add3A_71 = arith.addi %broadcast_in_dim3A_69, %add3A_70 : vector<16xi32>
        %add3A_72 = arith.constant 0 : i32
        %add3A_73 = vector.broadcast %add3A_72 : i32 to vector<16xi32>
        %add3A_74 = arith.addi %add3A_73, %iota3A : vector<16xi32>
        %gather3A_75 = tpu.vector_load_idx %arg6[%add3A_71, %add3A_74] : memref<128x128xf32, #tpu.memory_space<vmem>>[vector<16xi32>, vector<16xi32>], vector<16xf32>,
        %gather3A_76 = tpu.vector_load_idx %arg9[%add3A_71, %add3A_74] : memref<128x128xf32, #tpu.memory_space<vmem>>[vector<16xi32>, vector<16xi32>], vector<16xf32>,
        %max3A = arith.maximumf %gather3A_75, %gather3A_76 : vector<16xf32>
        tpu.vector_store_idx %arg6[%add3A_71, %add3A_74], %max3A : memref<128x128xf32, #tpu.memory_space<vmem>>[vector<16xi32>, vector<16xi32>], vector<16xf32>,
        %add3A_77 = arith.constant 16 : i32
        %add3A_78 = vector.broadcast %add3A_77 : i32 to vector<16xi32>
        %add3A_79 = arith.addi %add3A_78, %iota3A : vector<16xi32>
        %gather3A_80 = tpu.vector_load_idx %arg6[%add3A_71, %add3A_79] : memref<128x128xf32, #tpu.memory_space<vmem>>[vector<16xi32>, vector<16xi32>], vector<16xf32>,
        %gather3A_81 = tpu.vector_load_idx %arg9[%add3A_71, %add3A_79] : memref<128x128xf32, #tpu.memory_space<vmem>>[vector<16xi32>, vector<16xi32>], vector<16xf32>,
        %max3A_82 = arith.maximumf %gather3A_80, %gather3A_81 : vector<16xf32>
        tpu.vector_store_idx %arg6[%add3A_71, %add3A_79], %max3A_82 : memref<128x128xf32, #tpu.memory_space<vmem>>[vector<16xi32>, vector<16xi32>], vector<16xf32>,
        %add3A_83 = arith.constant 32 : i32
        %add3A_84 = vector.broadcast %add3A_83 : i32 to vector<16xi32>
        %add3A_85 = arith.addi %add3A_84, %iota3A : vector<16xi32>
        %gather3A_86 = tpu.vector_load_idx %arg6[%add3A_71, %add3A_85] : memref<128x128xf32, #tpu.memory_space<vmem>>[vector<16xi32>, vector<16xi32>], vector<16xf32>,
        %gather3A_87 = tpu.vector_load_idx %arg9[%add3A_71, %add3A_85] : memref<128x128xf32, #tpu.memory_space<vmem>>[vector<16xi32>, vector<16xi32>], vector<16xf32>,
        %max3A_88 = arith.maximumf %gather3A_86, %gather3A_87 : vector<16xf32>
        tpu.vector_store_idx %arg6[%add3A_71, %add3A_85], %max3A_88 : memref<128x128xf32, #tpu.memory_space<vmem>>[vector<16xi32>, vector<16xi32>], vector<16xf32>,
        %add3A_89 = arith.constant 48 : i32
        %add3A_90 = vector.broadcast %add3A_89 : i32 to vector<16xi32>
        %add3A_91 = arith.addi %add3A_90, %iota3A : vector<16xi32>
        %gather3A_92 = tpu.vector_load_idx %arg6[%add3A_71, %add3A_91] : memref<128x128xf32, #tpu.memory_space<vmem>>[vector<16xi32>, vector<16xi32>], vector<16xf32>,
        %gather3A_93 = tpu.vector_load_idx %arg9[%add3A_71, %add3A_91] : memref<128x128xf32, #tpu.memory_space<vmem>>[vector<16xi32>, vector<16xi32>], vector<16xf32>,
        %max3A_94 = arith.maximumf %gather3A_92, %gather3A_93 : vector<16xf32>
        tpu.vector_store_idx %arg6[%add3A_71, %add3A_91], %max3A_94 : memref<128x128xf32, #tpu.memory_space<vmem>>[vector<16xi32>, vector<16xi32>], vector<16xf32>,
        %add3A_95 = arith.constant 64 : i32
        %add3A_96 = vector.broadcast %add3A_95 : i32 to vector<16xi32>
        %add3A_97 = arith.addi %add3A_96, %iota3A : vector<16xi32>
        %gather3A_98 = tpu.vector_load_idx %arg6[%add3A_71, %add3A_97] : memref<128x128xf32, #tpu.memory_space<vmem>>[vector<16xi32>, vector<16xi32>], vector<16xf32>,
        %gather3A_99 = tpu.vector_load_idx %arg9[%add3A_71, %add3A_97] : memref<128x128xf32, #tpu.memory_space<vmem>>[vector<16xi32>, vector<16xi32>], vector<16xf32>,
        %max3A_100 = arith.maximumf %gather3A_98, %gather3A_99 : vector<16xf32>
        tpu.vector_store_idx %arg6[%add3A_71, %add3A_97], %max3A_100 : memref<128x128xf32, #tpu.memory_space<vmem>>[vector<16xi32>, vector<16xi32>], vector<16xf32>,
        %add3A_101 = arith.constant 80 : i32
        %add3A_102 = vector.broadcast %add3A_101 : i32 to vector<16xi32>
        %add3A_103 = arith.addi %add3A_102, %iota3A : vector<16xi32>
        %gather3A_104 = tpu.vector_load_idx %arg6[%add3A_71, %add3A_103] : memref<128x128xf32, #tpu.memory_space<vmem>>[vector<16xi32>, vector<16xi32>], vector<16xf32>,
        %gather3A_105 = tpu.vector_load_idx %arg9[%add3A_71, %add3A_103] : memref<128x128xf32, #tpu.memory_space<vmem>>[vector<16xi32>, vector<16xi32>], vector<16xf32>,
        %max3A_106 = arith.maximumf %gather3A_104, %gather3A_105 : vector<16xf32>
        tpu.vector_store_idx %arg6[%add3A_71, %add3A_103], %max3A_106 : memref<128x128xf32, #tpu.memory_space<vmem>>[vector<16xi32>, vector<16xi32>], vector<16xf32>,
        %add3A_107 = arith.constant 96 : i32
        %add3A_108 = vector.broadcast %add3A_107 : i32 to vector<16xi32>
        %add3A_109 = arith.addi %add3A_108, %iota3A : vector<16xi32>
        %gather3A_110 = tpu.vector_load_idx %arg6[%add3A_71, %add3A_109] : memref<128x128xf32, #tpu.memory_space<vmem>>[vector<16xi32>, vector<16xi32>], vector<16xf32>,
        %gather3A_111 = tpu.vector_load_idx %arg9[%add3A_71, %add3A_109] : memref<128x128xf32, #tpu.memory_space<vmem>>[vector<16xi32>, vector<16xi32>], vector<16xf32>,
        %max3A_112 = arith.maximumf %gather3A_110, %gather3A_111 : vector<16xf32>
        tpu.vector_store_idx %arg6[%add3A_71, %add3A_109], %max3A_112 : memref<128x128xf32, #tpu.memory_space<vmem>>[vector<16xi32>, vector<16xi32>], vector<16xf32>,
        %add3A_113 = arith.constant 112 : i32
        %add3A_114 = vector.broadcast %add3A_113 : i32 to vector<16xi32>
        %add3A_115 = arith.addi %add3A_114, %iota3A : vector<16xi32>
        %gather3A_116 = tpu.vector_load_idx %arg6[%add3A_71, %add3A_115] : memref<128x128xf32, #tpu.memory_space<vmem>>[vector<16xi32>, vector<16xi32>], vector<16xf32>,
        %gather3A_117 = tpu.vector_load_idx %arg9[%add3A_71, %add3A_115] : memref<128x128xf32, #tpu.memory_space<vmem>>[vector<16xi32>, vector<16xi32>], vector<16xf32>,
        %max3A_118 = arith.maximumf %gather3A_116, %gather3A_117 : vector<16xf32>
        tpu.vector_store_idx %arg6[%add3A_71, %add3A_115], %max3A_118 : memref<128x128xf32, #tpu.memory_space<vmem>>[vector<16xi32>, vector<16xi32>], vector<16xf32>,
        %scan3A_119 = arith.constant 0 : i32
        scf.yield %scan3A_119 : i32
      }
      %scan3A_59 = arith.constant 128 : i32
      %dma_start3A_60 = arith.constant 0 : i32
      %dma_start3A_61 = arith.constant 0 : i32
      %dma_start3A_62 = tpu.memref_slice %arg4[%dma_start3A_60, %dma_start3A_61] : memref<10272x128xf32, #tpu.memory_space<hbm>> -> memref<10272x128xf32, #tpu.memory_space<hbm>>
      tpu.enqueue_indirect_dma source(%arg6 : memref<128x128xf32, #tpu.memory_space<vmem>>) target(%dma_start3A_62 : memref<10272x128xf32, #tpu.memory_space<hbm>>) offsets(%arg8 : memref<128xi32, #tpu.memory_space<vmem>>) semaphore(%arg10 : memref<!tpu.dma_semaphore, #tpu.memory_space<semaphore_mem>>)
      %dma_wait3A_63 = arith.constant 0 : i32
      %dma_wait3A_64 = arith.constant 0 : i32
      %dma_wait3A_65 = tpu.memref_slice %arg4[%dma_wait3A_63, %dma_wait3A_64] : memref<10272x128xf32, #tpu.memory_space<hbm>> -> memref<10272x128xf32, #tpu.memory_space<hbm>>
      tpu.wait_indirect_dma semaphore(%arg10 : memref<!tpu.dma_semaphore, #tpu.memory_space<semaphore_mem>>) src(%arg6 : memref<128x128xf32, #tpu.memory_space<vmem>>) dst(%dma_wait3A_65 : memref<10272x128xf32, #tpu.memory_space<hbm>>)
    } else {
    }
    return
  }
}

module attributes {stable_mosaic.version = 14 : i64} {
  func.func @_node_body(%arg0: i32, %arg1: memref<256x128xf32, #tpu.memory_space<vmem>>, %arg2: memref<256x128xf32, #tpu.memory_space<vmem>>, %arg3: memref<256x128xf32, #tpu.memory_space<vmem>>, %arg4: memref<1x128xf32, #tpu.memory_space<vmem>>, %arg5: memref<128x128xf32, #tpu.memory_space<vmem>>, %arg6: memref<1x128xf32, #tpu.memory_space<vmem>>, %arg7: memref<256x128xf32, #tpu.memory_space<vmem>>, %arg8: memref<256x128xf32, #tpu.memory_space<vmem>>, %arg9: memref<256x128xf32, #tpu.memory_space<vmem>>) attributes {dimension_semantics = [#tpu.dimension_semantics<arbitrary>], iteration_bounds = array<i64: 40>, scalar_prefetch = 0 : i64, scratch_operands = 0 : i64, tpu.core_type = #tpu.core_type<tc>, window_params = [{transform_indices = @transform_0, window_bounds = array<i64: 256, 128>}, {transform_indices = @transform_1, window_bounds = array<i64: 256, 128>}, {pipeline_mode = #tpu.pipeline_mode<synchronous>, transform_indices = @transform_2, window_bounds = array<i64: 256, 128>}, {pipeline_mode = #tpu.pipeline_mode<synchronous>, transform_indices = @transform_3, window_bounds = array<i64: 1, 128>}, {pipeline_mode = #tpu.pipeline_mode<synchronous>, transform_indices = @transform_4, window_bounds = array<i64: 128, 128>}, {pipeline_mode = #tpu.pipeline_mode<synchronous>, transform_indices = @transform_5, window_bounds = array<i64: 1, 128>}, {transform_indices = @transform_6, window_bounds = array<i64: 256, 128>}, {transform_indices = @transform_7, window_bounds = array<i64: 256, 128>}, {transform_indices = @transform_8, window_bounds = array<i64: 256, 128>}]} {
    %get3A = arith.constant 0 : index
    %get3A_0 = arith.constant 0 : index
    %get3A_1 = vector.load %arg1[%get3A, %get3A_0] : memref<256x128xf32, #tpu.memory_space<vmem>>, vector<256x128xf32>
    %get3A_2 = arith.constant 0 : index
    %get3A_3 = arith.constant 0 : index
    %get3A_4 = vector.load %arg2[%get3A_2, %get3A_3] : memref<256x128xf32, #tpu.memory_space<vmem>>, vector<256x128xf32>
    %max3A = arith.maximumf %get3A_1, %get3A_4 : vector<256x128xf32>
    %get3A_5 = arith.constant 0 : index
    %get3A_6 = arith.constant 0 : index
    %get3A_7 = vector.load %arg3[%get3A_5, %get3A_6] : memref<256x128xf32, #tpu.memory_space<vmem>>, vector<128x128xf32>
    %get3A_8 = arith.constant 128 : index
    %get3A_9 = arith.constant 0 : index
    %get3A_10 = vector.load %arg3[%get3A_8, %get3A_9] : memref<256x128xf32, #tpu.memory_space<vmem>>, vector<128x128xf32>
    %dot_general3A = arith.constant dense<0.000000e+00> : vector<256x128xf32>
    %dot_general3A_11 = tpu.matmul %max3A, %get3A_7, %dot_general3A {dimension_numbers = #tpu.dot_dimension_numbers<[1], [0], [0], [1], [0, 0, 1, 1], [], []>, precision = #tpu.contract_precision<fp32>, transpose_lhs_hint = false} : vector<256x128xf32>, vector<128x128xf32>, vector<256x128xf32> -> vector<256x128xf32>
    %dot_general3A_12 = arith.constant dense<0.000000e+00> : vector<256x128xf32>
    %dot_general3A_13 = tpu.matmul %max3A, %get3A_10, %dot_general3A_12 {dimension_numbers = #tpu.dot_dimension_numbers<[1], [0], [0], [1], [0, 0, 1, 1], [], []>, precision = #tpu.contract_precision<fp32>, transpose_lhs_hint = false} : vector<256x128xf32>, vector<128x128xf32>, vector<256x128xf32> -> vector<256x128xf32>
    %sub3A = arith.subf %dot_general3A_11, %dot_general3A_13 : vector<256x128xf32>
    %get3A_14 = arith.constant 0 : index
    %get3A_15 = arith.constant 0 : index
    %get3A_16 = vector.load %arg4[%get3A_14, %get3A_15] : memref<1x128xf32, #tpu.memory_space<vmem>>, vector<1x128xf32>
    %add3A = vector.broadcast %get3A_16 : vector<1x128xf32> to vector<256x128xf32>
    %add3A_17 = arith.addf %sub3A, %add3A : vector<256x128xf32>
    %swap3A = arith.constant 0 : index
    %swap3A_18 = arith.constant 0 : index
    %swap3A_19 = vector.load %arg7[%swap3A, %swap3A_18] : memref<256x128xf32, #tpu.memory_space<vmem>>, vector<256x128xf32>
    tpu.vector_store %arg7[%swap3A, %swap3A_18], %add3A_17 {strides = array<i32>} : memref<256x128xf32, #tpu.memory_space<vmem>>, vector<256x128xf32>,
    %swap3A_20 = arith.constant 0 : index
    %swap3A_21 = arith.constant 0 : index
    %swap3A_22 = vector.load %arg8[%swap3A_20, %swap3A_21] : memref<256x128xf32, #tpu.memory_space<vmem>>, vector<256x128xf32>
    tpu.vector_store %arg8[%swap3A_20, %swap3A_21], %dot_general3A_13 {strides = array<i32>} : memref<256x128xf32, #tpu.memory_space<vmem>>, vector<256x128xf32>,
    %get3A_23 = arith.constant 0 : index
    %get3A_24 = arith.constant 0 : index
    %get3A_25 = vector.load %arg4[%get3A_23, %get3A_24] : memref<1x128xf32, #tpu.memory_space<vmem>>, vector<1x128xf32>
    %add3A_26 = vector.broadcast %get3A_25 : vector<1x128xf32> to vector<256x128xf32>
    %add3A_27 = arith.addf %dot_general3A_11, %add3A_26 : vector<256x128xf32>
    %max3A_28 = arith.constant 0.000000e+00 : f32
    %max3A_29 = vector.broadcast %max3A_28 : f32 to vector<256x128xf32>
    %max3A_30 = arith.maximumf %add3A_27, %max3A_29 : vector<256x128xf32>
    %get3A_31 = arith.constant 0 : index
    %get3A_32 = arith.constant 0 : index
    %get3A_33 = vector.load %arg5[%get3A_31, %get3A_32] : memref<128x128xf32, #tpu.memory_space<vmem>>, vector<128x128xf32>
    %dot_general3A_34 = arith.constant dense<0.000000e+00> : vector<256x128xf32>
    %dot_general3A_35 = tpu.matmul %max3A_30, %get3A_33, %dot_general3A_34 {dimension_numbers = #tpu.dot_dimension_numbers<[1], [0], [0], [1], [0, 0, 1, 1], [], []>, precision = #tpu.contract_precision<fp32>, transpose_lhs_hint = false} : vector<256x128xf32>, vector<128x128xf32>, vector<256x128xf32> -> vector<256x128xf32>
    %get3A_36 = arith.constant 0 : index
    %get3A_37 = arith.constant 0 : index
    %get3A_38 = vector.load %arg6[%get3A_36, %get3A_37] : memref<1x128xf32, #tpu.memory_space<vmem>>, vector<1x128xf32>
    %add3A_39 = vector.broadcast %get3A_38 : vector<1x128xf32> to vector<256x128xf32>
    %add3A_40 = arith.addf %dot_general3A_35, %add3A_39 : vector<256x128xf32>
    %swap3A_41 = arith.constant 0 : index
    %swap3A_42 = arith.constant 0 : index
    %swap3A_43 = vector.load %arg9[%swap3A_41, %swap3A_42] : memref<256x128xf32, #tpu.memory_space<vmem>>, vector<256x128xf32>
    tpu.vector_store %arg9[%swap3A_41, %swap3A_42], %add3A_40 {strides = array<i32>} : memref<256x128xf32, #tpu.memory_space<vmem>>, vector<256x128xf32>,
    return
  }
  func.func @transform_0(%arg0: i32) -> (i32, i32) {
    %c0_i32 = arith.constant 0 : i32
    %c0_i32_0 = arith.constant 0 : i32
    return %arg0, %c0_i32 : i32, i32
  }
  func.func @transform_1(%arg0: i32) -> (i32, i32) {
    %c0_i32 = arith.constant 0 : i32
    %c0_i32_0 = arith.constant 0 : i32
    return %arg0, %c0_i32 : i32, i32
  }
  func.func @transform_2(%arg0: i32) -> (i32, i32) {
    %c0_i32 = arith.constant 0 : i32
    %c0_i32_0 = arith.constant 0 : i32
    %c0_i32_1 = arith.constant 0 : i32
    return %c0_i32, %c0_i32_0 : i32, i32
  }
  func.func @transform_3(%arg0: i32) -> (i32, i32) {
    %c0_i32 = arith.constant 0 : i32
    %c0_i32_0 = arith.constant 0 : i32
    %c0_i32_1 = arith.constant 0 : i32
    return %c0_i32, %c0_i32_0 : i32, i32
  }
  func.func @transform_4(%arg0: i32) -> (i32, i32) {
    %c0_i32 = arith.constant 0 : i32
    %c0_i32_0 = arith.constant 0 : i32
    %c0_i32_1 = arith.constant 0 : i32
    return %c0_i32, %c0_i32_0 : i32, i32
  }
  func.func @transform_5(%arg0: i32) -> (i32, i32) {
    %c0_i32 = arith.constant 0 : i32
    %c0_i32_0 = arith.constant 0 : i32
    %c0_i32_1 = arith.constant 0 : i32
    return %c0_i32, %c0_i32_0 : i32, i32
  }
  func.func @transform_6(%arg0: i32) -> (i32, i32) {
    %c0_i32 = arith.constant 0 : i32
    %c0_i32_0 = arith.constant 0 : i32
    return %arg0, %c0_i32 : i32, i32
  }
  func.func @transform_7(%arg0: i32) -> (i32, i32) {
    %c0_i32 = arith.constant 0 : i32
    %c0_i32_0 = arith.constant 0 : i32
    return %arg0, %c0_i32 : i32, i32
  }
  func.func @transform_8(%arg0: i32) -> (i32, i32) {
    %c0_i32 = arith.constant 0 : i32
    %c0_i32_0 = arith.constant 0 : i32
    return %arg0, %c0_i32 : i32, i32
  }
}

module attributes {stable_mosaic.version = 14 : i64} {
  func.func @_edge_mm_body(%arg0: i32, %arg1: memref<512x128xf32, #tpu.memory_space<vmem>>, %arg2: memref<128x128xf32, #tpu.memory_space<vmem>>, %arg3: memref<1x128xf32, #tpu.memory_space<vmem>>, %arg4: memref<512x128xf32, #tpu.memory_space<vmem>>) attributes {dimension_semantics = [#tpu.dimension_semantics<arbitrary>], iteration_bounds = array<i64: 625>, scalar_prefetch = 0 : i64, scratch_operands = 0 : i64, tpu.core_type = #tpu.core_type<tc>, window_params = [{transform_indices = @transform_0, window_bounds = array<i64: 512, 128>}, {pipeline_mode = #tpu.pipeline_mode<synchronous>, transform_indices = @transform_1, window_bounds = array<i64: 128, 128>}, {pipeline_mode = #tpu.pipeline_mode<synchronous>, transform_indices = @transform_2, window_bounds = array<i64: 1, 128>}, {transform_indices = @transform_3, window_bounds = array<i64: 512, 128>}]} {
    %get3A = arith.constant 0 : index
    %get3A_0 = arith.constant 0 : index
    %get3A_1 = vector.load %arg1[%get3A, %get3A_0] : memref<512x128xf32, #tpu.memory_space<vmem>>, vector<512x128xf32>
    %get3A_2 = arith.constant 0 : index
    %get3A_3 = arith.constant 0 : index
    %get3A_4 = vector.load %arg2[%get3A_2, %get3A_3] : memref<128x128xf32, #tpu.memory_space<vmem>>, vector<128x128xf32>
    %dot_general3A = arith.constant dense<0.000000e+00> : vector<512x128xf32>
    %dot_general3A_5 = tpu.matmul %get3A_1, %get3A_4, %dot_general3A {dimension_numbers = #tpu.dot_dimension_numbers<[1], [0], [0], [1], [0, 0, 1, 1], [], []>, precision = #tpu.contract_precision<fp32>, transpose_lhs_hint = false} : vector<512x128xf32>, vector<128x128xf32>, vector<512x128xf32> -> vector<512x128xf32>
    %get3A_6 = arith.constant 0 : index
    %get3A_7 = arith.constant 0 : index
    %get3A_8 = vector.load %arg3[%get3A_6, %get3A_7] : memref<1x128xf32, #tpu.memory_space<vmem>>, vector<1x128xf32>
    %add3A = vector.broadcast %get3A_8 : vector<1x128xf32> to vector<512x128xf32>
    %add3A_9 = arith.addf %dot_general3A_5, %add3A : vector<512x128xf32>
    %swap3A = arith.constant 0 : index
    %swap3A_10 = arith.constant 0 : index
    %swap3A_11 = vector.load %arg4[%swap3A, %swap3A_10] : memref<512x128xf32, #tpu.memory_space<vmem>>, vector<512x128xf32>
    tpu.vector_store %arg4[%swap3A, %swap3A_10], %add3A_9 {strides = array<i32>} : memref<512x128xf32, #tpu.memory_space<vmem>>, vector<512x128xf32>,
    return
  }
  func.func @transform_0(%arg0: i32) -> (i32, i32) {
    %c0_i32 = arith.constant 0 : i32
    %c0_i32_0 = arith.constant 0 : i32
    return %arg0, %c0_i32 : i32, i32
  }
  func.func @transform_1(%arg0: i32) -> (i32, i32) {
    %c0_i32 = arith.constant 0 : i32
    %c0_i32_0 = arith.constant 0 : i32
    %c0_i32_1 = arith.constant 0 : i32
    return %c0_i32, %c0_i32_0 : i32, i32
  }
  func.func @transform_2(%arg0: i32) -> (i32, i32) {
    %c0_i32 = arith.constant 0 : i32
    %c0_i32_0 = arith.constant 0 : i32
    %c0_i32_1 = arith.constant 0 : i32
    return %c0_i32, %c0_i32_0 : i32, i32
  }
  func.func @transform_3(%arg0: i32) -> (i32, i32) {
    %c0_i32 = arith.constant 0 : i32
    %c0_i32_0 = arith.constant 0 : i32
    return %arg0, %c0_i32 : i32, i32
  }
}

module attributes {stable_mosaic.version = 14 : i64} {
  func.func @_bndpre_body(%arg0: i32, %arg1: memref<64x128xf32, #tpu.memory_space<vmem>>, %arg2: memref<64x16xi32, #tpu.memory_space<vmem>>, %arg3: memref<128x128xf32, #tpu.memory_space<vmem>>, %arg4: memref<128x16xi32, #tpu.memory_space<vmem>>) attributes {dimension_semantics = [#tpu.dimension_semantics<arbitrary>], iteration_bounds = array<i64: 1>, scalar_prefetch = 0 : i64, scratch_operands = 0 : i64, tpu.core_type = #tpu.core_type<tc>, window_params = [{pipeline_mode = #tpu.pipeline_mode<synchronous>, transform_indices = @transform_0, window_bounds = array<i64: 64, 128>}, {pipeline_mode = #tpu.pipeline_mode<synchronous>, transform_indices = @transform_1, window_bounds = array<i64: 64, 16>}, {pipeline_mode = #tpu.pipeline_mode<synchronous>, transform_indices = @transform_2, window_bounds = array<i64: 128, 128>}, {pipeline_mode = #tpu.pipeline_mode<synchronous>, transform_indices = @transform_3, window_bounds = array<i64: 128, 16>}]} {
    %get3A = arith.constant 0 : index
    %get3A_0 = arith.constant 0 : index
    %get3A_1 = vector.load %arg1[%get3A, %get3A_0] : memref<64x128xf32, #tpu.memory_space<vmem>>, vector<64x128xf32>
    %get3A_2 = arith.constant 0 : index
    %get3A_3 = arith.constant 0 : index
    %get3A_4 = vector.load %arg2[%get3A_2, %get3A_3] : memref<64x16xi32, #tpu.memory_space<vmem>>, vector<64x16xi32>
    %slice3A = vector.extract_strided_slice %get3A_1 {offsets = [1, 0], sizes = [63, 128], strides = [1, 1]} : vector<64x128xf32> to vector<63x128xf32>
    %broadcast_in_dim3A = arith.constant -3.000000e+38 : f32
    %broadcast_in_dim3A_5 = vector.broadcast %broadcast_in_dim3A : f32 to vector<1x128xf32>
    %concatenate3A = tpu.concatenate %slice3A, %broadcast_in_dim3A_5 in 0 : vector<63x128xf32>, vector<1x128xf32> -> vector<64x128xf32>
    %slice3A_6 = vector.extract_strided_slice %get3A_4 {offsets = [1, 0], sizes = [63, 16], strides = [1, 1]} : vector<64x16xi32> to vector<63x16xi32>
    %broadcast_in_dim3A_7 = arith.constant -1 : i32
    %broadcast_in_dim3A_8 = vector.broadcast %broadcast_in_dim3A_7 : i32 to vector<1x16xi32>
    %concatenate3A_9 = tpu.concatenate %slice3A_6, %broadcast_in_dim3A_8 in 0 : vector<63x16xi32>, vector<1x16xi32> -> vector<64x16xi32>
    %slice3A_10 = vector.extract_strided_slice %concatenate3A_9 {offsets = [0, 0], sizes = [64, 1], strides = [1, 1]} : vector<64x16xi32> to vector<64x1xi32>
    %slice3A_11 = vector.extract_strided_slice %get3A_4 {offsets = [0, 0], sizes = [64, 1], strides = [1, 1]} : vector<64x16xi32> to vector<64x1xi32>
    %eq3A = arith.cmpi eq, %slice3A_10, %slice3A_11 : vector<64x1xi32>
    %max3A = arith.maximumf %get3A_1, %concatenate3A : vector<64x128xf32>
    %broadcast_in_dim3A_12 = vector.shape_cast %eq3A : vector<64x1xi1> to vector<64x1xi1>
    %broadcast_in_dim3A_13 = vector.broadcast %broadcast_in_dim3A_12 : vector<64x1xi1> to vector<64x128xi1>
    %select_n3A = arith.select %broadcast_in_dim3A_13, %max3A, %get3A_1 : vector<64x128xi1>, vector<64x128xf32>
    %slice3A_14 = vector.extract_strided_slice %select_n3A {offsets = [2, 0], sizes = [62, 128], strides = [1, 1]} : vector<64x128xf32> to vector<62x128xf32>
    %broadcast_in_dim3A_15 = arith.constant -3.000000e+38 : f32
    %broadcast_in_dim3A_16 = vector.broadcast %broadcast_in_dim3A_15 : f32 to vector<2x128xf32>
    %concatenate3A_17 = tpu.concatenate %slice3A_14, %broadcast_in_dim3A_16 in 0 : vector<62x128xf32>, vector<2x128xf32> -> vector<64x128xf32>
    %slice3A_18 = vector.extract_strided_slice %get3A_4 {offsets = [2, 0], sizes = [62, 16], strides = [1, 1]} : vector<64x16xi32> to vector<62x16xi32>
    %broadcast_in_dim3A_19 = arith.constant -1 : i32
    %broadcast_in_dim3A_20 = vector.broadcast %broadcast_in_dim3A_19 : i32 to vector<2x16xi32>
    %concatenate3A_21 = tpu.concatenate %slice3A_18, %broadcast_in_dim3A_20 in 0 : vector<62x16xi32>, vector<2x16xi32> -> vector<64x16xi32>
    %slice3A_22 = vector.extract_strided_slice %concatenate3A_21 {offsets = [0, 0], sizes = [64, 1], strides = [1, 1]} : vector<64x16xi32> to vector<64x1xi32>
    %slice3A_23 = vector.extract_strided_slice %get3A_4 {offsets = [0, 0], sizes = [64, 1], strides = [1, 1]} : vector<64x16xi32> to vector<64x1xi32>
    %eq3A_24 = arith.cmpi eq, %slice3A_22, %slice3A_23 : vector<64x1xi32>
    %max3A_25 = arith.maximumf %select_n3A, %concatenate3A_17 : vector<64x128xf32>
    %broadcast_in_dim3A_26 = vector.shape_cast %eq3A_24 : vector<64x1xi1> to vector<64x1xi1>
    %broadcast_in_dim3A_27 = vector.broadcast %broadcast_in_dim3A_26 : vector<64x1xi1> to vector<64x128xi1>
    %select_n3A_28 = arith.select %broadcast_in_dim3A_27, %max3A_25, %select_n3A : vector<64x128xi1>, vector<64x128xf32>
    %slice3A_29 = vector.extract_strided_slice %select_n3A_28 {offsets = [4, 0], sizes = [60, 128], strides = [1, 1]} : vector<64x128xf32> to vector<60x128xf32>
    %broadcast_in_dim3A_30 = arith.constant -3.000000e+38 : f32
    %broadcast_in_dim3A_31 = vector.broadcast %broadcast_in_dim3A_30 : f32 to vector<4x128xf32>
    %concatenate3A_32 = tpu.concatenate %slice3A_29, %broadcast_in_dim3A_31 in 0 : vector<60x128xf32>, vector<4x128xf32> -> vector<64x128xf32>
    %slice3A_33 = vector.extract_strided_slice %get3A_4 {offsets = [4, 0], sizes = [60, 16], strides = [1, 1]} : vector<64x16xi32> to vector<60x16xi32>
    %broadcast_in_dim3A_34 = arith.constant -1 : i32
    %broadcast_in_dim3A_35 = vector.broadcast %broadcast_in_dim3A_34 : i32 to vector<4x16xi32>
    %concatenate3A_36 = tpu.concatenate %slice3A_33, %broadcast_in_dim3A_35 in 0 : vector<60x16xi32>, vector<4x16xi32> -> vector<64x16xi32>
    %slice3A_37 = vector.extract_strided_slice %concatenate3A_36 {offsets = [0, 0], sizes = [64, 1], strides = [1, 1]} : vector<64x16xi32> to vector<64x1xi32>
    %slice3A_38 = vector.extract_strided_slice %get3A_4 {offsets = [0, 0], sizes = [64, 1], strides = [1, 1]} : vector<64x16xi32> to vector<64x1xi32>
    %eq3A_39 = arith.cmpi eq, %slice3A_37, %slice3A_38 : vector<64x1xi32>
    %max3A_40 = arith.maximumf %select_n3A_28, %concatenate3A_32 : vector<64x128xf32>
    %broadcast_in_dim3A_41 = vector.shape_cast %eq3A_39 : vector<64x1xi1> to vector<64x1xi1>
    %broadcast_in_dim3A_42 = vector.broadcast %broadcast_in_dim3A_41 : vector<64x1xi1> to vector<64x128xi1>
    %select_n3A_43 = arith.select %broadcast_in_dim3A_42, %max3A_40, %select_n3A_28 : vector<64x128xi1>, vector<64x128xf32>
    %slice3A_44 = vector.extract_strided_slice %select_n3A_43 {offsets = [8, 0], sizes = [56, 128], strides = [1, 1]} : vector<64x128xf32> to vector<56x128xf32>
    %broadcast_in_dim3A_45 = arith.constant -3.000000e+38 : f32
    %broadcast_in_dim3A_46 = vector.broadcast %broadcast_in_dim3A_45 : f32 to vector<8x128xf32>
    %concatenate3A_47 = tpu.concatenate %slice3A_44, %broadcast_in_dim3A_46 in 0 : vector<56x128xf32>, vector<8x128xf32> -> vector<64x128xf32>
    %slice3A_48 = vector.extract_strided_slice %get3A_4 {offsets = [8, 0], sizes = [56, 16], strides = [1, 1]} : vector<64x16xi32> to vector<56x16xi32>
    %broadcast_in_dim3A_49 = arith.constant -1 : i32
    %broadcast_in_dim3A_50 = vector.broadcast %broadcast_in_dim3A_49 : i32 to vector<8x16xi32>
    %concatenate3A_51 = tpu.concatenate %slice3A_48, %broadcast_in_dim3A_50 in 0 : vector<56x16xi32>, vector<8x16xi32> -> vector<64x16xi32>
    %slice3A_52 = vector.extract_strided_slice %concatenate3A_51 {offsets = [0, 0], sizes = [64, 1], strides = [1, 1]} : vector<64x16xi32> to vector<64x1xi32>
    %slice3A_53 = vector.extract_strided_slice %get3A_4 {offsets = [0, 0], sizes = [64, 1], strides = [1, 1]} : vector<64x16xi32> to vector<64x1xi32>
    %eq3A_54 = arith.cmpi eq, %slice3A_52, %slice3A_53 : vector<64x1xi32>
    %max3A_55 = arith.maximumf %select_n3A_43, %concatenate3A_47 : vector<64x128xf32>
    %broadcast_in_dim3A_56 = vector.shape_cast %eq3A_54 : vector<64x1xi1> to vector<64x1xi1>
    %broadcast_in_dim3A_57 = vector.broadcast %broadcast_in_dim3A_56 : vector<64x1xi1> to vector<64x128xi1>
    %select_n3A_58 = arith.select %broadcast_in_dim3A_57, %max3A_55, %select_n3A_43 : vector<64x128xi1>, vector<64x128xf32>
    %slice3A_59 = vector.extract_strided_slice %select_n3A_58 {offsets = [16, 0], sizes = [48, 128], strides = [1, 1]} : vector<64x128xf32> to vector<48x128xf32>
    %broadcast_in_dim3A_60 = arith.constant -3.000000e+38 : f32
    %broadcast_in_dim3A_61 = vector.broadcast %broadcast_in_dim3A_60 : f32 to vector<16x128xf32>
    %concatenate3A_62 = tpu.concatenate %slice3A_59, %broadcast_in_dim3A_61 in 0 : vector<48x128xf32>, vector<16x128xf32> -> vector<64x128xf32>
    %slice3A_63 = vector.extract_strided_slice %get3A_4 {offsets = [16, 0], sizes = [48, 16], strides = [1, 1]} : vector<64x16xi32> to vector<48x16xi32>
    %broadcast_in_dim3A_64 = arith.constant -1 : i32
    %broadcast_in_dim3A_65 = vector.broadcast %broadcast_in_dim3A_64 : i32 to vector<16x16xi32>
    %concatenate3A_66 = tpu.concatenate %slice3A_63, %broadcast_in_dim3A_65 in 0 : vector<48x16xi32>, vector<16x16xi32> -> vector<64x16xi32>
    %slice3A_67 = vector.extract_strided_slice %concatenate3A_66 {offsets = [0, 0], sizes = [64, 1], strides = [1, 1]} : vector<64x16xi32> to vector<64x1xi32>
    %slice3A_68 = vector.extract_strided_slice %get3A_4 {offsets = [0, 0], sizes = [64, 1], strides = [1, 1]} : vector<64x16xi32> to vector<64x1xi32>
    %eq3A_69 = arith.cmpi eq, %slice3A_67, %slice3A_68 : vector<64x1xi32>
    %max3A_70 = arith.maximumf %select_n3A_58, %concatenate3A_62 : vector<64x128xf32>
    %broadcast_in_dim3A_71 = vector.shape_cast %eq3A_69 : vector<64x1xi1> to vector<64x1xi1>
    %broadcast_in_dim3A_72 = vector.broadcast %broadcast_in_dim3A_71 : vector<64x1xi1> to vector<64x128xi1>
    %select_n3A_73 = arith.select %broadcast_in_dim3A_72, %max3A_70, %select_n3A_58 : vector<64x128xi1>, vector<64x128xf32>
    %slice3A_74 = vector.extract_strided_slice %select_n3A_73 {offsets = [32, 0], sizes = [32, 128], strides = [1, 1]} : vector<64x128xf32> to vector<32x128xf32>
    %broadcast_in_dim3A_75 = arith.constant -3.000000e+38 : f32
    %broadcast_in_dim3A_76 = vector.broadcast %broadcast_in_dim3A_75 : f32 to vector<32x128xf32>
    %concatenate3A_77 = tpu.concatenate %slice3A_74, %broadcast_in_dim3A_76 in 0 : vector<32x128xf32>, vector<32x128xf32> -> vector<64x128xf32>
    %slice3A_78 = vector.extract_strided_slice %get3A_4 {offsets = [32, 0], sizes = [32, 16], strides = [1, 1]} : vector<64x16xi32> to vector<32x16xi32>
    %broadcast_in_dim3A_79 = arith.constant -1 : i32
    %broadcast_in_dim3A_80 = vector.broadcast %broadcast_in_dim3A_79 : i32 to vector<32x16xi32>
    %concatenate3A_81 = tpu.concatenate %slice3A_78, %broadcast_in_dim3A_80 in 0 : vector<32x16xi32>, vector<32x16xi32> -> vector<64x16xi32>
    %slice3A_82 = vector.extract_strided_slice %concatenate3A_81 {offsets = [0, 0], sizes = [64, 1], strides = [1, 1]} : vector<64x16xi32> to vector<64x1xi32>
    %slice3A_83 = vector.extract_strided_slice %get3A_4 {offsets = [0, 0], sizes = [64, 1], strides = [1, 1]} : vector<64x16xi32> to vector<64x1xi32>
    %eq3A_84 = arith.cmpi eq, %slice3A_82, %slice3A_83 : vector<64x1xi32>
    %max3A_85 = arith.maximumf %select_n3A_73, %concatenate3A_77 : vector<64x128xf32>
    %broadcast_in_dim3A_86 = vector.shape_cast %eq3A_84 : vector<64x1xi1> to vector<64x1xi1>
    %broadcast_in_dim3A_87 = vector.broadcast %broadcast_in_dim3A_86 : vector<64x1xi1> to vector<64x128xi1>
    %select_n3A_88 = arith.select %broadcast_in_dim3A_87, %max3A_85, %select_n3A_73 : vector<64x128xi1>, vector<64x128xf32>
    %broadcast_in_dim3A_89 = arith.constant -1 : i32
    %broadcast_in_dim3A_90 = vector.broadcast %broadcast_in_dim3A_89 : i32 to vector<1x16xi32>
    %slice3A_91 = vector.extract_strided_slice %get3A_4 {offsets = [0, 0], sizes = [63, 16], strides = [1, 1]} : vector<64x16xi32> to vector<63x16xi32>
    %concatenate3A_92 = tpu.concatenate %broadcast_in_dim3A_90, %slice3A_91 in 0 : vector<1x16xi32>, vector<63x16xi32> -> vector<64x16xi32>
    %ne3A = arith.cmpi ne, %get3A_4, %concatenate3A_92 : vector<64x16xi32>
    %jit3A = arith.constant 10240 : i32
    %broadcast_in_dim3A_93 = vector.broadcast %jit3A : i32 to vector<64x16xi32>
    %select_n3A_94 = arith.select %ne3A, %get3A_4, %broadcast_in_dim3A_93 : vector<64x16xi1>, vector<64x16xi32>
    %broadcast_in_dim3A_95 = arith.constant -3.000000e+38 : f32
    %broadcast_in_dim3A_96 = vector.broadcast %broadcast_in_dim3A_95 : f32 to vector<64x128xf32>
    %concatenate3A_97 = tpu.concatenate %select_n3A_88, %broadcast_in_dim3A_96 in 0 : vector<64x128xf32>, vector<64x128xf32> -> vector<128x128xf32>
    %swap3A = arith.constant 0 : index
    %swap3A_98 = arith.constant 0 : index
    %swap3A_99 = vector.load %arg3[%swap3A, %swap3A_98] : memref<128x128xf32, #tpu.memory_space<vmem>>, vector<128x128xf32>
    tpu.vector_store %arg3[%swap3A, %swap3A_98], %concatenate3A_97 {strides = array<i32>} : memref<128x128xf32, #tpu.memory_space<vmem>>, vector<128x128xf32>,
    %broadcast_in_dim3A_100 = arith.constant 10240 : i32
    %broadcast_in_dim3A_101 = vector.broadcast %broadcast_in_dim3A_100 : i32 to vector<64x16xi32>
    %concatenate3A_102 = tpu.concatenate %select_n3A_94, %broadcast_in_dim3A_101 in 0 : vector<64x16xi32>, vector<64x16xi32> -> vector<128x16xi32>
    %swap3A_103 = arith.constant 0 : index
    %swap3A_104 = arith.constant 0 : index
    %swap3A_105 = vector.load %arg4[%swap3A_103, %swap3A_104] : memref<128x16xi32, #tpu.memory_space<vmem>>, vector<128x16xi32>
    tpu.vector_store %arg4[%swap3A_103, %swap3A_104], %concatenate3A_102 {strides = array<i32>} : memref<128x16xi32, #tpu.memory_space<vmem>>, vector<128x16xi32>,
    return
  }
  func.func @transform_0(%arg0: i32) -> (i32, i32) {
    %c0_i32 = arith.constant 0 : i32
    %c0_i32_0 = arith.constant 0 : i32
    %c0_i32_1 = arith.constant 0 : i32
    return %c0_i32, %c0_i32_0 : i32, i32
  }
  func.func @transform_1(%arg0: i32) -> (i32, i32) {
    %c0_i32 = arith.constant 0 : i32
    %c0_i32_0 = arith.constant 0 : i32
    %c0_i32_1 = arith.constant 0 : i32
    return %c0_i32, %c0_i32_0 : i32, i32
  }
  func.func @transform_2(%arg0: i32) -> (i32, i32) {
    %c0_i32 = arith.constant 0 : i32
    %c0_i32_0 = arith.constant 0 : i32
    %c0_i32_1 = arith.constant 0 : i32
    return %c0_i32, %c0_i32_0 : i32, i32
  }
  func.func @transform_3(%arg0: i32) -> (i32, i32) {
    %c0_i32 = arith.constant 0 : i32
    %c0_i32_0 = arith.constant 0 : i32
    %c0_i32_1 = arith.constant 0 : i32
    return %c0_i32, %c0_i32_0 : i32, i32
  }
}

module attributes {stable_mosaic.version = 14 : i64} {
  func.func @_final_body(%arg0: i32, %arg1: memref<256x128xf32, #tpu.memory_space<vmem>>, %arg2: memref<256x128xf32, #tpu.memory_space<vmem>>, %arg3: memref<128x128xf32, #tpu.memory_space<vmem>>, %arg4: memref<1x128xf32, #tpu.memory_space<vmem>>, %arg5: memref<256x128xf32, #tpu.memory_space<vmem>>) attributes {dimension_semantics = [#tpu.dimension_semantics<arbitrary>], iteration_bounds = array<i64: 40>, scalar_prefetch = 0 : i64, scratch_operands = 0 : i64, tpu.core_type = #tpu.core_type<tc>, window_params = [{transform_indices = @transform_0, window_bounds = array<i64: 256, 128>}, {transform_indices = @transform_1, window_bounds = array<i64: 256, 128>}, {pipeline_mode = #tpu.pipeline_mode<synchronous>, transform_indices = @transform_2, window_bounds = array<i64: 128, 128>}, {pipeline_mode = #tpu.pipeline_mode<synchronous>, transform_indices = @transform_3, window_bounds = array<i64: 1, 128>}, {transform_indices = @transform_4, window_bounds = array<i64: 256, 128>}]} {
    %get3A = arith.constant 0 : index
    %get3A_0 = arith.constant 0 : index
    %get3A_1 = vector.load %arg1[%get3A, %get3A_0] : memref<256x128xf32, #tpu.memory_space<vmem>>, vector<256x128xf32>
    %get3A_2 = arith.constant 0 : index
    %get3A_3 = arith.constant 0 : index
    %get3A_4 = vector.load %arg2[%get3A_2, %get3A_3] : memref<256x128xf32, #tpu.memory_space<vmem>>, vector<256x128xf32>
    %max3A = arith.maximumf %get3A_1, %get3A_4 : vector<256x128xf32>
    %get3A_5 = arith.constant 0 : index
    %get3A_6 = arith.constant 0 : index
    %get3A_7 = vector.load %arg3[%get3A_5, %get3A_6] : memref<128x128xf32, #tpu.memory_space<vmem>>, vector<128x128xf32>
    %dot_general3A = arith.constant dense<0.000000e+00> : vector<256x128xf32>
    %dot_general3A_8 = tpu.matmul %max3A, %get3A_7, %dot_general3A {dimension_numbers = #tpu.dot_dimension_numbers<[1], [0], [0], [1], [0, 0, 1, 1], [], []>, precision = #tpu.contract_precision<fp32>, transpose_lhs_hint = false} : vector<256x128xf32>, vector<128x128xf32>, vector<256x128xf32> -> vector<256x128xf32>
    %get3A_9 = arith.constant 0 : index
    %get3A_10 = arith.constant 0 : index
    %get3A_11 = vector.load %arg4[%get3A_9, %get3A_10] : memref<1x128xf32, #tpu.memory_space<vmem>>, vector<1x128xf32>
    %add3A = vector.broadcast %get3A_11 : vector<1x128xf32> to vector<256x128xf32>
    %add3A_12 = arith.addf %dot_general3A_8, %add3A : vector<256x128xf32>
    %swap3A = arith.constant 0 : index
    %swap3A_13 = arith.constant 0 : index
    %swap3A_14 = vector.load %arg5[%swap3A, %swap3A_13] : memref<256x128xf32, #tpu.memory_space<vmem>>, vector<256x128xf32>
    tpu.vector_store %arg5[%swap3A, %swap3A_13], %add3A_12 {strides = array<i32>} : memref<256x128xf32, #tpu.memory_space<vmem>>, vector<256x128xf32>,
    return
  }
  func.func @transform_0(%arg0: i32) -> (i32, i32) {
    %c0_i32 = arith.constant 0 : i32
    %c0_i32_0 = arith.constant 0 : i32
    return %arg0, %c0_i32 : i32, i32
  }
  func.func @transform_1(%arg0: i32) -> (i32, i32) {
    %c0_i32 = arith.constant 0 : i32
    %c0_i32_0 = arith.constant 0 : i32
    return %arg0, %c0_i32 : i32, i32
  }
  func.func @transform_2(%arg0: i32) -> (i32, i32) {
    %c0_i32 = arith.constant 0 : i32
    %c0_i32_0 = arith.constant 0 : i32
    %c0_i32_1 = arith.constant 0 : i32
    return %c0_i32, %c0_i32_0 : i32, i32
  }
  func.func @transform_3(%arg0: i32) -> (i32, i32) {
    %c0_i32 = arith.constant 0 : i32
    %c0_i32_0 = arith.constant 0 : i32
    %c0_i32_1 = arith.constant 0 : i32
    return %c0_i32, %c0_i32_0 : i32, i32
  }
  func.func @transform_4(%arg0: i32) -> (i32, i32) {
    %c0_i32 = arith.constant 0 : i32
    %c0_i32_0 = arith.constant 0 : i32
    return %arg0, %c0_i32 : i32, i32
  }
}

</mosaic_0001>

<sc_bundles>
// kernel: closed_call.37.cloned.1.call-start
scs
__scs_entry_jumppad:
0x0: {  	(pc) =	sbr.rel $0x88, $3  }
0x1: {  	(tag) =	ssettag $0x0;
	lr =	simm.s32 $0x1  }
0x2: {  	[smem:$0x3F99] =	sst lr;
	_ =	strace $0xD0000000  }
0x3: {  	_ = 	snop  }
0x4: {  	_ = 	snop  }
0x5: {  	_ = 	snop  }
0x6: {  	_ = 	snop  }
0x7: {  	_ = 	snop  }
__scs_overlays_trampoline_lowered:
0x8: {  	[smem:$0x3FA8] =	sst s0  }
0x9: {  	[smem:$0x3FA9] =	sst s1  }
0xa: {  	[smem:$0x3FAA] =	sst s2  }
0xb: {  	[smem:$0x3FAB] =	sst s3  }
0xc: {  	[smem:$0x3FAC] =	sst s4  }
0xd: {  	[smem:$0x3FAD] =	sst s5  }
0xe: {  	[smem:$0x3FAE] =	sst s6  }
0xf: {  	[smem:$0x3FAF] =	sst s7  }
0x10: {  	[smem:$0x3FB0] =	sst s8  }
0x11: {  	[smem:$0x3FB1] =	sst s9;
	s0 =	simm.s32 @!p0 $0x0  }
0x12: {  	s1 =	sld [smem:$0x3F97];
	s0 =	simm.s32 @p0 $0x1  }
0x13: {  	[smem:$0x3FB2] =	sst s0;
	s0 =	simm.s32 @!p1 $0x0  }
0x14: {  	s2 =	sld [smem:$0x3F96];
	s0 =	simm.s32 @p1 $0x1  }
0x15: {  	[smem:$0x3FB3] =	sst s0;
	s0 =	simm.s32 @!p2 $0x0  }
0x16: {  	s3 =	sld [smem:$0x3FDB];
	s0 =	simm.s32 @p2 $0x1  }
0x17: {  	s4 =	simm.s32 $0x1BF5;
	[smem:$0x3FB5] =	sst s0  }
0x18: {  	s0 =	sld [smem:$0x3F98];
	_ =	swait.ge [sflag:s4], $0x0  }
0x19: {  	s7 =	sld [smem:$0x3F99]  }
0x1a: {  	s8 =	sadd.s32 $0xFFFFE003, lr  }
0x1b: {  	s9 =	sadd.s32 $0xFFFFFEF7, lr;
	s5 =	simm.s32 $0xFFFFFFFF;
	p2 =	slt.u32 s8, $0xFFFFF086  }
0x1c: {  	p1 =	slt.u32 s9, $0xF7A;
	s5 =	simm.s32 @!p2 $0x0  }
0x1d: {  	s5 =	simm.s32 @p1 $0x1;
	p0 =	seq.s32 s7, s2  }
0x1e: {  	s7 =	smul.u32 @!p0 $0xF7A, s2;
	p2 =	seq.s32 @!p0 s5, $0x0  }
0x1f: {  	s9 =	smul.u32 $0xF7A, s1;
	s8 =	simm.s32 @!p0 $0x1BF5;
	p2 =	por !p2, p0  }
0x20: {  	[sflag:s8] =	ssyncset.s32 @!p0 $0xFFFFF086;
	s6 =	sadd.s32 @!p0 s3, s7;
	s7 =	simm.s32 @!p0 $0x108  }
0x21: {  	s3 =	sadd.s32 s3, s9;
	s6 =	sadd.s32 @!p0 $0x88, s6;
	s7 =	simm.s32 @p2 $0x1082  }
0x22: {  	[simem:s7], [sflag:s8] =	dma.local @!p0 [hbm:s6], $0xF7A  }
0x23: {  	s9 =	sor.u32 $0xD0000000, s2;
	s6 =	simm.s32 $0x108;
	_ =	swait.ge @!p0 [sflag:s8], $0x0  }
0x24: {  	s3 =	sadd.s32 $0x88, s3;
	s6 =	simm.s32 @!p1 $0x1082;
	[sflag:s4] =	ssyncset.s32 $0xFFFFF086  }
0x25: {  	[simem:s6], [sflag:s4] =	dma.local [hbm:s3], $0xF7A  }
0x26: {  	[smem:$0x3F99] =	sst s1;
	(tag) =	ssettag s2;
	_ =	strace s9  }
0x27: {  	s1 =	sld [smem:$0x3FA9]  }
0x28: {  	s2 =	sld [smem:$0x3FAA]  }
0x29: {  	s4 =	sld [smem:$0x3FAC]  }
0x2a: {  	p0 =	seq.s32 s5, $0x0;
	s5 =	sld [smem:$0x3FAD]  }
0x2b: {  	s6 =	sld [smem:$0x3FAE]  }
0x2c: {  	s7 =	sld [smem:$0x3FAF]  }
0x2d: {  	s3 =	simm.s32 $0x108;
	s8 =	sld [smem:$0x3FB0]  }
0x2e: {  	s3 =	simm.s32 @!p0 $0x1082;
	s9 =	sld [smem:$0x3FB1]  }
0x2f: {  	lr =	sadd.s32 s0, s3;
	s0 =	sld [smem:$0x3FA8]  }
0x30: {  	s3 =	sld [smem:$0x3FAB]  }
0x31: {  	[smem:$0x3FB4] =	sst s10  }
0x32: {  	s10 =	sld [smem:$0x3FB2];
	_ =	sdelay $0x3  }
0x33: {  	p0 =	seq.s32 s10, $0x1;
	s10 =	sld [smem:$0x3FB4];
	_ =	sdelay $0x3  }
0x34: {  	[smem:$0x3FB4] =	sst s10  }
0x35: {  	s10 =	sld [smem:$0x3FB3];
	_ =	sdelay $0x3  }
0x36: {  	p1 =	seq.s32 s10, $0x1;
	s10 =	sld [smem:$0x3FB4];
	_ =	sdelay $0x3  }
0x37: {  	[smem:$0x3FB4] =	sst s10  }
0x38: {  	s10 =	sld [smem:$0x3FB5]  }
0x39: {  	_ = 	snop;
	(pc) =	sbr.ind lr, $3  }
0x3a: {  	_ = 	snop  }
0x3b: {  	_ = 	snop  }
0x3c: {  	p2 =	seq.s32 s10, $0x1;
	s10 =	sld [smem:$0x3FB4]  }
0x3d: {  	_ =	shalt  }
0x3e: {  	_ =	shalt  }
0x3f: {  	_ =	shalt  }
0x40: {  	_ =	shalt  }
0x41: {  	_ =	shalt  }
0x42: {  	_ =	shalt  }
0x43: {  	_ =	shalt  }
0x44: {  	_ =	shalt  }
0x45: {  	_ =	shalt  }
0x46: {  	_ =	shalt  }
0x47: {  	_ =	shalt  }
0x48: {  	_ =	shalt  }
0x49: {  	_ =	shalt  }
0x4a: {  	_ =	shalt  }
0x4b: {  	_ =	shalt  }
0x4c: {  	_ =	shalt  }
0x4d: {  	_ =	shalt  }
0x4e: {  	_ =	shalt  }
0x4f: {  	_ =	shalt  }
0x50: {  	_ =	shalt  }
0x51: {  	_ =	shalt  }
0x52: {  	_ =	shalt  }
0x53: {  	_ =	shalt  }
0x54: {  	_ =	shalt  }
0x55: {  	_ =	shalt  }
0x56: {  	_ =	shalt  }
0x57: {  	_ =	shalt  }
0x58: {  	_ =	shalt  }
0x59: {  	_ =	shalt  }
0x5a: {  	_ =	shalt  }
0x5b: {  	_ =	shalt  }
0x5c: {  	_ =	shalt  }
0x5d: {  	_ =	shalt  }
0x5e: {  	_ =	shalt  }
0x5f: {  	_ =	shalt  }
0x60: {  	_ =	shalt  }
0x61: {  	_ =	shalt  }
0x62: {  	_ =	shalt  }
0x63: {  	_ =	shalt  }
0x64: {  	_ =	shalt  }
0x65: {  	_ =	shalt  }
0x66: {  	_ =	shalt  }
0x67: {  	_ =	shalt  }
0x68: {  	_ =	shalt  }
0x69: {  	_ =	shalt  }
0x6a: {  	_ =	shalt  }
0x6b: {  	_ =	shalt  }
0x6c: {  	_ =	shalt  }
0x6d: {  	_ =	shalt  }
0x6e: {  	_ =	shalt  }
0x6f: {  	_ =	shalt  }
0x70: {  	_ =	shalt  }
0x71: {  	_ =	shalt  }
0x72: {  	_ =	shalt  }
0x73: {  	_ =	shalt  }
0x74: {  	_ =	shalt  }
0x75: {  	_ =	shalt  }
0x76: {  	_ =	shalt  }
0x77: {  	_ =	shalt  }
0x78: {  	_ =	shalt  }
0x79: {  	_ =	shalt  }
0x7a: {  	_ =	shalt  }
0x7b: {  	_ =	shalt  }
0x7c: {  	_ =	shalt  }
0x7d: {  	_ =	shalt  }
0x7e: {  	_ =	shalt  }
0x7f: {  	_ =	shalt  }
0x80: {  	_ =	shalt  }
0x81: {  	_ =	shalt  }
0x82: {  	_ =	shalt  }
0x83: {  	_ =	shalt  }
0x84: {  	_ =	shalt  }
0x85: {  	_ =	shalt  }
0x86: {  	_ =	shalt  }
0x87: {  	_ =	shalt  }
.Lfunc_end0:
.L_simem_size_0:
called_computation_lowered:
.L_overlay_start_0:
0x88: {  	s2 =	sld [smem:$0x3FD9]  }
0x89: {  	s3 =	sld [smem:$0x3FFE];
	_ =	sdelay $0x1  }
0x8a: {  	s1 =	srdreg.scid  }
0x8b: {  	s0 =	sand.u32 $0x1, s1  }
0x8c: {  	s17 =	sshll.u32 s0, $0xA;
	s2 =	sadd.s32 s3, s2  }
0x8d: {  	s2 =	sadd.s32 s2, s17  }
0x8e: {  	[smem:$0x3FC0] =	sst s2  }
0x8f: {  	_ = 	snop  }
0x90: {  	s2 =	sld [smem:$0x3FD0];
	(tm) =	ssettm $0x1  }
0x91: {  	s18 =	sld [smem:$0x3FFB];
	_ =	sdelay $0x3  }
0x92: {  	_ =	strace s18  }
0x93: {  	s3 =	sld [smem:$0x3FFC];
	_ =	sdelay $0x3  }
0x94: {  	_ =	strace s3  }
0x95: {  	s3 =	sld [smem:$0x3FFD];
	_ =	sdelay $0x3  }
0x96: {  	_ =	strace s3  }
0x97: {  	_ =	strace $0x8FFFFFFF  }
0x98: {  	s19 =	sld [smem:$0x3FDB];
	_ =	sdelay $0x1  }
0x99: {  	s4 =	simm.s32 $_scs_section_size  }
0x9a: {  	s5 =	simm.s32 $_size__tile_overlayer_lowered;
	s6 =	simm.s32 $_tile_overlayer_lowered  }
0x9b: {  	s22 =	simm.s32 $0x1BFF;
	s21 =	sshll.u32 s6, $0x1;
	s3 =	sadd.s32 s4, s19  }
0x9c: {  	s7 =	simm.s32 $0x0;
	s20 =	sshll.u32 s5, $0x1;
	s5 =	sadd.s32 s21, s3  }
0x9d: {  	[timem:s7], [sflag:s22] =	dma.local [hbm:s5], s20  }
0x9e: {  	_ =	swait.ge [sflag:s22], s20  }
0x9f: {  	s4 =	ssub.s32 $0x0, s20;
	[sflag:s22] =	ssyncset.done $0x0  }
0xa0: {  	[sflag:s22] =	ssyncadd.s32 s4;
	_ =	sdelay $0x1  }
0xa1: {  	s23 =	simm.s32 $0x1B8B  }
0xa2: {  	_ =	swait.ge [sflag:s23], $0x1  }
0xa3: {  	[sflag:s23] =	ssyncset.done $0x0  }
0xa4: {  	s25 =	simm.s32 $0x1B8E;
	s24 =	sld [smem:$0x3FFE];
	[sflag:s23] =	ssyncadd.s32 $0xFFFFFFFF  }
0xa5: {  	s26 =	simm.s32 $execute0_lowered;
	[smem:$0x3FD2] =	sst s25  }
0xa6: {  	s5 =	sshll.u32 s26, $0x1;
	_ =	strace $0x80000046;
	[dreg:$0x1] =	wrdreg $0xFFFFFFFF  }
0xa7: {  	s28 =	simm.s32 $_size_execute0_lowered;
	s3 =	sadd.s32 s3, s5;
	[dreg:$0x0] =	wrdreg $0x0  }
0xa8: {  	s5 =	sshll.u32 s28, $0x1;
	[dreg:$0x2] =	wrdreg s3  }
0xa9: {  	[dreg:$0x3] =	wrdreg s5  }
0xaa: {  	[dreg:$0x4] =	wrdreg $0xC0  }
0xab: {  	_ =	task [dreg:s7], $0x5FFFF  }
0xac: {  	[dreg:$0x1] =	wrdreg $0xFFFFFFFF  }
0xad: {  	[dreg:$0x0] =	wrdreg $0x60  }
0xae: {  	[dreg:$0x2] =	wrdreg s24  }
0xaf: {  	[dreg:$0x3] =	wrdreg s2  }
0xb0: {  	[dreg:$0x4] =	wrdreg $0x9  }
0xb1: {  	_ =	task.clear_ibuf [dreg:s7], $0x5FFFF;
	_ =	strace $0x90000046  }
0xb2: {  	s29 =	simm.s32 $0x9;
	_ =	strace $0x80000048  }
0xb3: {  	_ =	swait.ge [sflag:s29], $0x1  }
0xb4: {  	[sflag:s29] =	ssyncadd.s32 $0xFFFFFFFF  }
0xb5: {  	_ =	strace $0x90000048  }
0xb6: {  	_ =	sfence  }
0xb7: {  	s30 =	sld [smem:$0x0];
	_ =	sdelay $0x2  }
0xb8: {  	s31 =	sshll.u32 s1, $0xD;
	s1 =	sshrl.u32 s1, $0x2  }
0xb9: {  	s3 =	sand.u32 $0x4000, s31;
	s1 =	sadd.s32 s1, s30  }
0xba: {  	s0 =	sor.u32 s3, s0;
	s1 =	sshll.u32 s1, $0x11  }
0xbb: {  	s0 =	sor.u32 s1, s0  }
0xbc: {  	s0 =	sadd.s32 $0x8F2B, s0  }
0xbd: {  	[sflag:s0] =	ssyncadd.remote.s32 $0x1  }
0xbe: {  	_ =	sfence.sel $0xFFFF  }
0xbf: {  	[dreg:$0x0] =	wrdreg $0xFFFFFFFF;
	(pc) =	sbr.abs _section_cstart, $3  }
0xc0: {  	[dreg:$0x1] =	wrdreg $0xFFFFFFFF  }
0xc1: {  	_ =	task.clear_ibuf [dreg:s7], $0x2FFFF;
	_ =	strace $0x9FFFFFFF  }
0xc2: {  	(tm) =	ssettm $0x7FFFFFFF  }
0xc3: {  	_ =	shalt  }
tec
execute0_lowered:
.L_overlay_start_1:
0x0: {  	(tag) =	ssettag $0x1  }
0x1: {  	s7 =	rddreg [dreg:$0x0]  }
0x2: {  	s1 =	rddreg [dreg:$0x1]  }
0x3: {  	s0 =	rddreg [dreg:$0x2];
	s2 =	simm.s32 $0x0  }
0x4: {  	s5 =	srdreg.scid;
	s3 =	stileid.u32;
	s12 =	simm.s32 $0x50  }
0x5: {  	s13 =	simm.s32 $0x200;
	s14 =	simm.s32 $0x5200;
	s15 =	simm.s32 $0x1  }
0x6: {  	s16 =	simm.s32 $0x2;
	s17 =	simm.s32 $0x0;
	[smem:$0x7FF] =	sst s2  }
0x7: {  	s4 =	sadd.s32 $0x35400, s7;
	s8 =	sand.u32 $0x1, s5;
	s5 =	sadd.s32 $0x5D400, s7  }
0x8: {  	s10 =	sshll.u32 s3, $0x1;
	s6 =	sadd.s32 $0x2C00, s7;
	s9 =	ssub.s32 $0x2, s8  }
0x9: {  	s7 =	sadd.s32 $0x85400, s7;
	_ =	strace $0x80000047;
	s11 =	sshrl.u32 s9, $0x1  }
0xa: {  	s8 =	sor.u32 s8, s10;
	s10 =	simm.s32 $0x3;
	s9 =	ssub.s32 s9, s11  }
0xb: {  	s8 =	smul.u32 $0x2710, s8;
	s11 =	simm.s32 $0x100;
	s9 =	smax.u32 s9, $0x1  }
.LBB2_1:
0xc: {  	s18 =	simm.s32 $0x0  }
.LBB2_2:
0xd: {  	s19 =	smul.u32 $0x50, s18;
	_ =	sdelay $0x1  }
0xe: {  	s19 =	sadd.s32 s8, s19  }
0xf: {  	s20 =	sshrl.u32 s19, $0x3  }
0x10: {  	s22 =	simm.s32 $0x0;
	s21 =	sadd.s32 s1, s20  }
0x11: {  	[tilespmem:s22], [sflag:$0x3] =	stream.linear.gather [hbm4b:s21+s22], $0x50, $0x38;
	[tilespmem:$0xA200] =	vst v63  }
0x12: {  	_ =	swait.ge [sflag:s10], $0x50  }
0x13: {  	[sflag:s10] =	ssyncset.done $0x0  }
0x14: {  	s20 =	sadd.s32 s6, s20;
	[sflag:s10] =	ssyncadd.s32 $0xFFFFFFB0  }
0x15: {  	[tilespmem:s11], [sflag:$0x3] =	stream.linear.gather [hbm4b:s20+s22], $0x50, $0x38;
	[tilespmem:$0xA200] =	vst v63  }
0x16: {  	_ =	swait.ge [sflag:s10], $0x50  }
0x17: {  	[sflag:s10] =	ssyncset.done $0x0  }
0x18: {  	[sflag:s10] =	ssyncadd.s32 $0xFFFFFFB0  }
0x19: {  	[tilespmem:s13], [sflag:$0x1] =	stream.indirect.gather [hbm4b:s4+s12], $0x80, s22, s12, $0xb8;
	[tilespmem:$0xA200] =	vst v63  }
0x1a: {  	_ = 	snop  }
0x1b: {  	[tilespmem:s14], [sflag:$0x2] =	stream.indirect.gather [hbm4b:s5+s12], $0x80, s11, s12, $0xb8;
	[tilespmem:$0xA200] =	vst v63  }
0x1c: {  	_ =	swait.ge [sflag:s15], $0x2800  }
0x1d: {  	[sflag:s15] =	ssyncset.done $0x0  }
0x1e: {  	[sflag:s15] =	ssyncadd.s32 $0xFFFFD800  }
0x1f: {  	_ =	swait.ge [sflag:s16], $0x2800  }
0x20: {  	[sflag:s16] =	ssyncset.done $0x0  }
0x21: {  	s20 =	simm.s32 $0x0;
	[sflag:s16] =	ssyncadd.s32 $0xFFFFD800  }
0x22: {  	v6 =	vld [tilespmem:s20+$0x5200]  }
0x23: {  	v11 =	vld [tilespmem:s20+$0x5210]  }
0x24: {  	v5 =	vld [tilespmem:s20+$0x5220]  }
0x25: {  	v4 =	vld [tilespmem:s20+$0x5230]  }
0x26: {  	v3 =	vld [tilespmem:s20+$0x5240]  }
0x27: {  	v2 =	vld [tilespmem:s20+$0x5250]  }
0x28: {  	v1 =	vld [tilespmem:s20+$0x5260]  }
0x29: {  	v0 =	vld [tilespmem:s20+$0x5270]  }
0x2a: {  	v12 =	vld [tilespmem:s20+$0x200]  }
0x2b: {  	v13 =	vld [tilespmem:s20+$0x210]  }
0x2c: {  	v10 =	vld [tilespmem:s20+$0x220]  }
0x2d: {  	v9 =	vld [tilespmem:s20+$0x230]  }
0x2e: {  	v8 =	vld [tilespmem:s20+$0x240]  }
0x2f: {  	v7 =	vld [tilespmem:s20+$0x250];
	v12 =	vadd.f32 v6, v12  }
0x30: {  	s21 =	simm.s32 $0x200;
	v11 =	vadd.f32 v11, v13;
	v6 =	vld [tilespmem:s20+$0x260]  }
.LBB2_3:
0x31: {  	s22 =	sshra.s32 s21, $0x2;
	p0 =	sne.s32 s21, $0x9E00;
	v12 =	vmax.f32 v12, $0.0e+00;
	v5 =	vadd.f32 v5, v10;
	v10 =	vld [tilespmem:s20+$0x270]  }
0x32: {  	v13 =	vld [tilespmem:s22+$0x5200];
	[tilespmem:s20+$0x200] =	vst v12;
	v11 =	vmax.f32 v11, $0.0e+00;
	v4 =	vadd.f32 v4, v9  }
0x33: {  	v14 =	vld [tilespmem:s22+$0x5210];
	[tilespmem:s20+$0x210] =	vst v11;
	v9 =	vmax.f32 v5, $0.0e+00;
	v3 =	vadd.f32 v3, v8  }
0x34: {  	v5 =	vld [tilespmem:s22+$0x5220];
	[tilespmem:s20+$0x220] =	vst v9;
	v8 =	vmax.f32 v4, $0.0e+00;
	v2 =	vadd.f32 v2, v7  }
0x35: {  	v4 =	vld [tilespmem:s22+$0x5230];
	[tilespmem:s20+$0x230] =	vst v8;
	v7 =	vmax.f32 v3, $0.0e+00;
	v1 =	vadd.f32 v1, v6  }
0x36: {  	v3 =	vld [tilespmem:s22+$0x5240];
	[tilespmem:s20+$0x240] =	vst v7;
	v6 =	vmax.f32 v2, $0.0e+00;
	v0 =	vadd.f32 v0, v10  }
0x37: {  	v2 =	vld [tilespmem:s22+$0x5250];
	[tilespmem:s20+$0x250] =	vst v6;
	v6 =	vmax.f32 v1, $0.0e+00  }
0x38: {  	v1 =	vld [tilespmem:s22+$0x5260];
	[tilespmem:s20+$0x260] =	vst v6;
	v6 =	vmax.f32 v0, $0.0e+00  }
0x39: {  	v0 =	vld [tilespmem:s22+$0x5270];
	[tilespmem:s20+$0x270] =	vst v6;
	s20 =	smov.u32 s22  }
0x3a: {  	v6 =	vld [tilespmem:s20+$0x200]  }
0x3b: {  	v11 =	vld [tilespmem:s20+$0x210]  }
.Ltmp0:
0x3c: {  	v10 =	vld [tilespmem:s20+$0x220];
	(pc) =	sbr.rel @p0 .LBB2_3-.Ltmp0, $4  }
0x3d: {  	v9 =	vld [tilespmem:s20+$0x230]  }
0x3e: {  	v8 =	vld [tilespmem:s20+$0x240]  }
0x3f: {  	v12 =	vadd.f32 v13, v6;
	v7 =	vld [tilespmem:s20+$0x250]  }
0x40: {  	s21 =	sadd.s32 $0x200, s21;
	v11 =	vadd.f32 v14, v11;
	v6 =	vld [tilespmem:s20+$0x260]  }
0x41: {  	v12 =	vmax.f32 v12, $0.0e+00;
	v5 =	vadd.f32 v5, v10;
	v63 =	vld [tilespmem:s20+$0x270]  }
0x42: {  	[tilespmem:s20+$0x200] =	vst v12;
	v11 =	vmax.f32 v11, $0.0e+00;
	v4 =	vadd.f32 v4, v9  }
0x43: {  	[tilespmem:s20+$0x210] =	vst v11;
	v5 =	vmax.f32 v5, $0.0e+00;
	v3 =	vadd.f32 v3, v8  }
0x44: {  	[tilespmem:s20+$0x220] =	vst v5;
	v4 =	vmax.f32 v4, $0.0e+00;
	v2 =	vadd.f32 v2, v7  }
0x45: {  	[tilespmem:s20+$0x230] =	vst v4;
	v3 =	vmax.f32 v3, $0.0e+00;
	v1 =	vadd.f32 v1, v6  }
0x46: {  	[tilespmem:s20+$0x240] =	vst v3;
	v2 =	vmax.f32 v2, $0.0e+00;
	v0 =	vadd.f32 v0, v63  }
0x47: {  	s18 =	sadd.s32 $0x1, s18;
	[tilespmem:s20+$0x250] =	vst v2;
	v1 =	vmax.f32 v1, $0.0e+00  }
0x48: {  	s19 =	sshll.u32 s19, $0x4;
	p0 =	sne.s32 s18, $0x7D;
	[tilespmem:s20+$0x260] =	vst v1;
	v0 =	vmax.f32 v0, $0.0e+00  }
.Ltmp1:
0x49: {  	s19 =	sadd.s32 s7, s19;
	[tilespmem:s20+$0x270] =	vst v0;
	(pc) =	sbr.rel @p0 .LBB2_2-.Ltmp1, $4  }
0x4a: {  	[hbm4b:s19+s2] =	stream.linear.scatter [tilespmem:s13], [sflag:$0x3], $0x2800, $0x38;
	[tilespmem:$0xA200] =	vst v63  }
0x4b: {  	_ =	swait.ge [sflag:s10], $0x2800  }
0x4c: {  	[sflag:s10] =	ssyncset.done $0x0  }
0x4d: {  	[sflag:s10] =	ssyncadd.s32 $0xFFFFD800  }
0x4e: {  	s17 =	sadd.s32 $0x1, s17  }
0x4f: {  	p0 =	sne.s32 s17, s9  }
.Ltmp2:
0x50: {  	_ = 	snop;
	(pc) =	sbr.rel @p0 .LBB2_1-.Ltmp2, $1  }
0x51: {  	_ =	sdelay $0x3  }
0x52: {  	_ =	sfence.sel $0x180000  }
0x53: {  	[bflag:$0x0] =	sbarrier.arrive $0xFFFF  }
0x54: {  	p0 =	sne.s32 s3, $0x0;
	_ =	strace $0x90000047  }
0x55: {  	s0 =	sadd.s32 @!p0 $0x100000, s0;
	[bflag:$0x2] =	sbarrier.arrive $0xFFFF  }
0x56: {  	[sflag:s0] =	ssyncadd.tile.s32 @!p0 $0x1;
	_ =	shalt  }
.Lfunc_end2:
_tile_overlayer_lowered:
.L_overlay_start_2:
0x57: {  	(tag) =	ssettag $0x2  }
0x58: {  	s0 =	rddreg [dreg:$0x0];
	s2 =	stileid.u32  }
0x59: {  	s1 =	rddreg [dreg:$0x1];
	p0 =	sne.s32 s2, $0x0  }
0x5a: {  	s3 =	rddreg [dreg:$0x2];
	[bflag:$0x3] =	sbarrier.arrive $0xFFFF;
	s2 =	simm.s32 @!p0 $0x1C03  }
0x5b: {  	[timem:s3], [sflag:s2] =	dma.local @!p0 [hbm:s0], s1  }
0x5c: {  	s0 =	simm.s32 @!p0 $0x3  }
0x5d: {  	_ =	swait.ge @!p0 [sflag:s0], s1  }
0x5e: {  	s1 =	ssub.s32 @!p0 $0x0, s1;
	[sflag:s0] =	ssyncset.done @!p0 $0x0  }
0x5f: {  	[sflag:s0] =	ssyncadd.s32 @!p0 s1  }
0x60: {  	[bflag:$0x3] =	sbarrier.arrive $0xFFFF  }
0x61: {  	_ =	shalt  }

// kernel: closed_call.40.cloned.1.call-start
scs
__scs_entry_jumppad:
0x0: {  	(pc) =	sbr.rel $0x88, $3  }
0x1: {  	(tag) =	ssettag $0x0;
	lr =	simm.s32 $0x1  }
0x2: {  	[smem:$0x3F99] =	sst lr;
	_ =	strace $0xD0000000  }
0x3: {  	_ = 	snop  }
0x4: {  	_ = 	snop  }
0x5: {  	_ = 	snop  }
0x6: {  	_ = 	snop  }
0x7: {  	_ = 	snop  }
__scs_overlays_trampoline_lowered:
0x8: {  	[smem:$0x3FA8] =	sst s0  }
0x9: {  	[smem:$0x3FA9] =	sst s1  }
0xa: {  	[smem:$0x3FAA] =	sst s2  }
0xb: {  	[smem:$0x3FAB] =	sst s3  }
0xc: {  	[smem:$0x3FAC] =	sst s4  }
0xd: {  	[smem:$0x3FAD] =	sst s5  }
0xe: {  	[smem:$0x3FAE] =	sst s6  }
0xf: {  	[smem:$0x3FAF] =	sst s7  }
0x10: {  	[smem:$0x3FB0] =	sst s8  }
0x11: {  	[smem:$0x3FB1] =	sst s9;
	s0 =	simm.s32 @!p0 $0x0  }
0x12: {  	s1 =	sld [smem:$0x3F97];
	s0 =	simm.s32 @p0 $0x1  }
0x13: {  	[smem:$0x3FB2] =	sst s0;
	s0 =	simm.s32 @!p1 $0x0  }
0x14: {  	s2 =	sld [smem:$0x3F96];
	s0 =	simm.s32 @p1 $0x1  }
0x15: {  	[smem:$0x3FB3] =	sst s0;
	s0 =	simm.s32 @!p2 $0x0  }
0x16: {  	s3 =	sld [smem:$0x3FDB];
	s0 =	simm.s32 @p2 $0x1  }
0x17: {  	s4 =	simm.s32 $0x1BF5;
	[smem:$0x3FB5] =	sst s0  }
0x18: {  	s0 =	sld [smem:$0x3F98];
	_ =	swait.ge [sflag:s4], $0x0  }
0x19: {  	s7 =	sld [smem:$0x3F99]  }
0x1a: {  	s8 =	sadd.s32 $0xFFFFE003, lr  }
0x1b: {  	s9 =	sadd.s32 $0xFFFFFEF7, lr;
	s5 =	simm.s32 $0xFFFFFFFF;
	p2 =	slt.u32 s8, $0xFFFFF086  }
0x1c: {  	p1 =	slt.u32 s9, $0xF7A;
	s5 =	simm.s32 @!p2 $0x0  }
0x1d: {  	s5 =	simm.s32 @p1 $0x1;
	p0 =	seq.s32 s7, s2  }
0x1e: {  	s7 =	smul.u32 @!p0 $0xF7A, s2;
	p2 =	seq.s32 @!p0 s5, $0x0  }
0x1f: {  	s9 =	smul.u32 $0xF7A, s1;
	s8 =	simm.s32 @!p0 $0x1BF5;
	p2 =	por !p2, p0  }
0x20: {  	[sflag:s8] =	ssyncset.s32 @!p0 $0xFFFFF086;
	s6 =	sadd.s32 @!p0 s3, s7;
	s7 =	simm.s32 @!p0 $0x108  }
0x21: {  	s3 =	sadd.s32 s3, s9;
	s6 =	sadd.s32 @!p0 $0x88, s6;
	s7 =	simm.s32 @p2 $0x1082  }
0x22: {  	[simem:s7], [sflag:s8] =	dma.local @!p0 [hbm:s6], $0xF7A  }
0x23: {  	s9 =	sor.u32 $0xD0000000, s2;
	s6 =	simm.s32 $0x108;
	_ =	swait.ge @!p0 [sflag:s8], $0x0  }
0x24: {  	s3 =	sadd.s32 $0x88, s3;
	s6 =	simm.s32 @!p1 $0x1082;
	[sflag:s4] =	ssyncset.s32 $0xFFFFF086  }
0x25: {  	[simem:s6], [sflag:s4] =	dma.local [hbm:s3], $0xF7A  }
0x26: {  	[smem:$0x3F99] =	sst s1;
	(tag) =	ssettag s2;
	_ =	strace s9  }
0x27: {  	s1 =	sld [smem:$0x3FA9]  }
0x28: {  	s2 =	sld [smem:$0x3FAA]  }
0x29: {  	s4 =	sld [smem:$0x3FAC]  }
0x2a: {  	p0 =	seq.s32 s5, $0x0;
	s5 =	sld [smem:$0x3FAD]  }
0x2b: {  	s6 =	sld [smem:$0x3FAE]  }
0x2c: {  	s7 =	sld [smem:$0x3FAF]  }
0x2d: {  	s3 =	simm.s32 $0x108;
	s8 =	sld [smem:$0x3FB0]  }
0x2e: {  	s3 =	simm.s32 @!p0 $0x1082;
	s9 =	sld [smem:$0x3FB1]  }
0x2f: {  	lr =	sadd.s32 s0, s3;
	s0 =	sld [smem:$0x3FA8]  }
0x30: {  	s3 =	sld [smem:$0x3FAB]  }
0x31: {  	[smem:$0x3FB4] =	sst s10  }
0x32: {  	s10 =	sld [smem:$0x3FB2];
	_ =	sdelay $0x3  }
0x33: {  	p0 =	seq.s32 s10, $0x1;
	s10 =	sld [smem:$0x3FB4];
	_ =	sdelay $0x3  }
0x34: {  	[smem:$0x3FB4] =	sst s10  }
0x35: {  	s10 =	sld [smem:$0x3FB3];
	_ =	sdelay $0x3  }
0x36: {  	p1 =	seq.s32 s10, $0x1;
	s10 =	sld [smem:$0x3FB4];
	_ =	sdelay $0x3  }
0x37: {  	[smem:$0x3FB4] =	sst s10  }
0x38: {  	s10 =	sld [smem:$0x3FB5]  }
0x39: {  	_ = 	snop;
	(pc) =	sbr.ind lr, $3  }
0x3a: {  	_ = 	snop  }
0x3b: {  	_ = 	snop  }
0x3c: {  	p2 =	seq.s32 s10, $0x1;
	s10 =	sld [smem:$0x3FB4]  }
0x3d: {  	_ =	shalt  }
0x3e: {  	_ =	shalt  }
0x3f: {  	_ =	shalt  }
0x40: {  	_ =	shalt  }
0x41: {  	_ =	shalt  }
0x42: {  	_ =	shalt  }
0x43: {  	_ =	shalt  }
0x44: {  	_ =	shalt  }
0x45: {  	_ =	shalt  }
0x46: {  	_ =	shalt  }
0x47: {  	_ =	shalt  }
0x48: {  	_ =	shalt  }
0x49: {  	_ =	shalt  }
0x4a: {  	_ =	shalt  }
0x4b: {  	_ =	shalt  }
0x4c: {  	_ =	shalt  }
0x4d: {  	_ =	shalt  }
0x4e: {  	_ =	shalt  }
0x4f: {  	_ =	shalt  }
0x50: {  	_ =	shalt  }
0x51: {  	_ =	shalt  }
0x52: {  	_ =	shalt  }
0x53: {  	_ =	shalt  }
0x54: {  	_ =	shalt  }
0x55: {  	_ =	shalt  }
0x56: {  	_ =	shalt  }
0x57: {  	_ =	shalt  }
0x58: {  	_ =	shalt  }
0x59: {  	_ =	shalt  }
0x5a: {  	_ =	shalt  }
0x5b: {  	_ =	shalt  }
0x5c: {  	_ =	shalt  }
0x5d: {  	_ =	shalt  }
0x5e: {  	_ =	shalt  }
0x5f: {  	_ =	shalt  }
0x60: {  	_ =	shalt  }
0x61: {  	_ =	shalt  }
0x62: {  	_ =	shalt  }
0x63: {  	_ =	shalt  }
0x64: {  	_ =	shalt  }
0x65: {  	_ =	shalt  }
0x66: {  	_ =	shalt  }
0x67: {  	_ =	shalt  }
0x68: {  	_ =	shalt  }
0x69: {  	_ =	shalt  }
0x6a: {  	_ =	shalt  }
0x6b: {  	_ =	shalt  }
0x6c: {  	_ =	shalt  }
0x6d: {  	_ =	shalt  }
0x6e: {  	_ =	shalt  }
0x6f: {  	_ =	shalt  }
0x70: {  	_ =	shalt  }
0x71: {  	_ =	shalt  }
0x72: {  	_ =	shalt  }
0x73: {  	_ =	shalt  }
0x74: {  	_ =	shalt  }
0x75: {  	_ =	shalt  }
0x76: {  	_ =	shalt  }
0x77: {  	_ =	shalt  }
0x78: {  	_ =	shalt  }
0x79: {  	_ =	shalt  }
0x7a: {  	_ =	shalt  }
0x7b: {  	_ =	shalt  }
0x7c: {  	_ =	shalt  }
0x7d: {  	_ =	shalt  }
0x7e: {  	_ =	shalt  }
0x7f: {  	_ =	shalt  }
0x80: {  	_ =	shalt  }
0x81: {  	_ =	shalt  }
0x82: {  	_ =	shalt  }
0x83: {  	_ =	shalt  }
0x84: {  	_ =	shalt  }
0x85: {  	_ =	shalt  }
0x86: {  	_ =	shalt  }
0x87: {  	_ =	shalt  }
.Lfunc_end0:
.L_simem_size_0:
called_computation.1_lowered:
.L_overlay_start_0:
0x88: {  	s2 =	sld [smem:$0x3FD9]  }
0x89: {  	s3 =	sld [smem:$0x3FFE];
	_ =	sdelay $0x1  }
0x8a: {  	s1 =	srdreg.scid  }
0x8b: {  	s0 =	sand.u32 $0x1, s1  }
0x8c: {  	s17 =	sshll.u32 s0, $0xA;
	s2 =	sadd.s32 s3, s2  }
0x8d: {  	s2 =	sadd.s32 s2, s17  }
0x8e: {  	[smem:$0x3FC0] =	sst s2  }
0x8f: {  	_ = 	snop  }
0x90: {  	s2 =	sld [smem:$0x3FD0];
	(tm) =	ssettm $0x1  }
0x91: {  	s18 =	sld [smem:$0x3FFB];
	_ =	sdelay $0x3  }
0x92: {  	_ =	strace s18  }
0x93: {  	s3 =	sld [smem:$0x3FFC];
	_ =	sdelay $0x3  }
0x94: {  	_ =	strace s3  }
0x95: {  	s3 =	sld [smem:$0x3FFD];
	_ =	sdelay $0x3  }
0x96: {  	_ =	strace s3  }
0x97: {  	_ =	strace $0x8FFFFFFF  }
0x98: {  	s19 =	sld [smem:$0x3FDB];
	_ =	sdelay $0x1  }
0x99: {  	s4 =	simm.s32 $_scs_section_size  }
0x9a: {  	s5 =	simm.s32 $_size__tile_overlayer_lowered;
	s6 =	simm.s32 $_tile_overlayer_lowered  }
0x9b: {  	s22 =	simm.s32 $0x1BFF;
	s21 =	sshll.u32 s6, $0x1;
	s3 =	sadd.s32 s4, s19  }
0x9c: {  	s7 =	simm.s32 $0x0;
	s20 =	sshll.u32 s5, $0x1;
	s5 =	sadd.s32 s21, s3  }
0x9d: {  	[timem:s7], [sflag:s22] =	dma.local [hbm:s5], s20  }
0x9e: {  	_ =	swait.ge [sflag:s22], s20  }
0x9f: {  	s4 =	ssub.s32 $0x0, s20;
	[sflag:s22] =	ssyncset.done $0x0  }
0xa0: {  	[sflag:s22] =	ssyncadd.s32 s4;
	_ =	sdelay $0x1  }
0xa1: {  	s23 =	simm.s32 $0x1B8B  }
0xa2: {  	_ =	swait.ge [sflag:s23], $0x1  }
0xa3: {  	[sflag:s23] =	ssyncset.done $0x0  }
0xa4: {  	s25 =	simm.s32 $0x1B8E;
	s24 =	sld [smem:$0x3FFE];
	[sflag:s23] =	ssyncadd.s32 $0xFFFFFFFF  }
0xa5: {  	s26 =	simm.s32 $execute0_lowered;
	[smem:$0x3FD2] =	sst s25  }
0xa6: {  	s5 =	sshll.u32 s26, $0x1;
	_ =	strace $0x80000049;
	[dreg:$0x1] =	wrdreg $0xFFFFFFFF  }
0xa7: {  	s28 =	simm.s32 $_size_execute0_lowered;
	s3 =	sadd.s32 s3, s5;
	[dreg:$0x0] =	wrdreg $0x0  }
0xa8: {  	s5 =	sshll.u32 s28, $0x1;
	[dreg:$0x2] =	wrdreg s3  }
0xa9: {  	[dreg:$0x3] =	wrdreg s5  }
0xaa: {  	[dreg:$0x4] =	wrdreg $0xC0  }
0xab: {  	_ =	task [dreg:s7], $0x5FFFF  }
0xac: {  	[dreg:$0x1] =	wrdreg $0xFFFFFFFF  }
0xad: {  	[dreg:$0x0] =	wrdreg $0x60  }
0xae: {  	[dreg:$0x2] =	wrdreg s24  }
0xaf: {  	[dreg:$0x3] =	wrdreg s2  }
0xb0: {  	[dreg:$0x4] =	wrdreg $0x9  }
0xb1: {  	_ =	task.clear_ibuf [dreg:s7], $0x5FFFF;
	_ =	strace $0x90000049  }
0xb2: {  	s29 =	simm.s32 $0x9;
	_ =	strace $0x8000004B  }
0xb3: {  	_ =	swait.ge [sflag:s29], $0x1  }
0xb4: {  	[sflag:s29] =	ssyncadd.s32 $0xFFFFFFFF  }
0xb5: {  	_ =	strace $0x9000004B  }
0xb6: {  	_ =	sfence  }
0xb7: {  	s30 =	sld [smem:$0x0];
	_ =	sdelay $0x2  }
0xb8: {  	s31 =	sshll.u32 s1, $0xD;
	s1 =	sshrl.u32 s1, $0x2  }
0xb9: {  	s3 =	sand.u32 $0x4000, s31;
	s1 =	sadd.s32 s1, s30  }
0xba: {  	s0 =	sor.u32 s3, s0;
	s1 =	sshll.u32 s1, $0x11  }
0xbb: {  	s0 =	sor.u32 s1, s0  }
0xbc: {  	s0 =	sadd.s32 $0x8F2B, s0  }
0xbd: {  	[sflag:s0] =	ssyncadd.remote.s32 $0x1  }
0xbe: {  	_ =	sfence.sel $0xFFFF  }
0xbf: {  	[dreg:$0x0] =	wrdreg $0xFFFFFFFF;
	(pc) =	sbr.abs _section_cstart, $3  }
0xc0: {  	[dreg:$0x1] =	wrdreg $0xFFFFFFFF  }
0xc1: {  	_ =	task.clear_ibuf [dreg:s7], $0x2FFFF;
	_ =	strace $0x9FFFFFFF  }
0xc2: {  	(tm) =	ssettm $0x7FFFFFFF  }
0xc3: {  	_ =	shalt  }
tec
execute0_lowered:
.L_overlay_start_1:
0x0: {  	(tag) =	ssettag $0x1  }
0x1: {  	s6 =	rddreg [dreg:$0x0]  }
0x2: {  	s2 =	rddreg [dreg:$0x1]  }
0x3: {  	s0 =	rddreg [dreg:$0x2]  }
0x4: {  	s3 =	simm.s32 $0x0;
	s4 =	srdreg.scid;
	s1 =	stileid.u32  }
0x5: {  	s11 =	simm.s32 $0xC800;
	s12 =	simm.s32 $0x80;
	s13 =	simm.s32 $0x10A00  }
0x6: {  	s14 =	simm.s32 $0xCA00;
	s15 =	simm.s32 $0x1;
	s16 =	simm.s32 $0x10A80  }
0x7: {  	s17 =	simm.s32 $0x10B80;
	s18 =	simm.s32 $0x0;
	[smem:$0x7FF] =	sst s3  }
0x8: {  	s5 =	sand.u32 $0x1, s4;
	s30 =	sshll.u32 s1, $0x1;
	s4 =	sadd.s32 $0x567400, s6  }
.Ltmp0:
0x9: {  	_ =	strace $0x8000004A;
	s7 =	sor.u32 s5, s30;
	(pc) =	sbr.rel .LBB2_1-.Ltmp0, $4  }
0xa: {  	v0 =	vlaneseq.u32;
	s9 =	ssub.s32 $0x2, s5;
	s5 =	sadd.s32 $0x35400, s6;
	s8 =	sshll.u32 s7, $0x5  }
0xb: {  	v9 =	vimm.f32 $0.0e+00;
	v2 =	vor.u32 $0x10, v0;
	v3 =	vor.u32 $0x20, v0;
	s31 =	sshrl.u32 s9, $0x1;
	s10 =	sor.u32 $0x2800, s7;
	s8 =	sadd.s32 s8, s6  }
0xc: {  	v4 =	vor.u32 $0x30, v0;
	v5 =	vor.u32 $0x40, v0;
	s9 =	ssub.s32 s9, s31;
	s6 =	smul.u32 $0x2710, s7;
	v1 =	vmov s10;
	s10 =	simm.s32 $0x2  }
0xd: {  	v6 =	vor.u32 $0x50, v0;
	v7 =	vor.u32 $0x60, v0;
	v8 =	vor.u32 $0x70, v0;
	s7 =	sadd.s32 $0xCA00, s8;
	s8 =	sadd.s32 $0xCE00, s8;
	s9 =	smax.u32 s9, $0x1  }
.LBB2_8:
0xe: {  	[hbm4b:s5+s12] =	stream.indirect.scatter [tilespmem:s14], [sflag:$0x1], $0x80, s13, s12, $0xb8;
	[tilespmem:$0x10C80] =	vst v63  }
0xf: {  	_ =	swait.ge [sflag:s15], $0x4000  }
0x10: {  	[sflag:s15] =	ssyncset.done $0x0  }
0x11: {  	[sflag:s15] =	ssyncadd.s32 $0xFFFFC000  }
0x12: {  	[tilespmem:$0x10B00] =	vst v18  }
0x13: {  	[tilespmem:$0x10B10] =	vst v17  }
0x14: {  	[tilespmem:$0x10B20] =	vst v16  }
0x15: {  	[tilespmem:$0x10B30] =	vst v15  }
0x16: {  	[tilespmem:$0x10B40] =	vst v14  }
0x17: {  	[tilespmem:$0x10B50] =	vst v13  }
0x18: {  	[tilespmem:$0x10B60] =	vst v12  }
0x19: {  	[tilespmem:$0x10B70] =	vst v10  }
0x1a: {  	p0 =	sne.s32 s19, $0x0;
	[tilespmem:$0x10C00] =	vst v11  }
0x1b: {  	[tilespmem:$0x10B80] =	vst @!p0 v11  }
0x1c: {  	[hbm4b:s7+s3] =	stream.linear.scatter [tilespmem:s16], [sflag:$0x2], $0x100, $0x38;
	[tilespmem:$0x10C80] =	vst v63  }
0x1d: {  	s18 =	sadd.s32 $0x1, s18;
	_ =	swait.ge [sflag:s10], $0x100  }
0x1e: {  	p0 =	sne.s32 s18, s9;
	[sflag:s10] =	ssyncset.done $0x0  }
.Ltmp1:
0x1f: {  	[sflag:s10] =	ssyncadd.s32 $0xFFFFFF00;
	(pc) =	sbr.rel @!p0 .LBB2_9-.Ltmp1, $4  }
0x20: {  	[hbm4b:s8+s3] =	stream.linear.scatter [tilespmem:s17], [sflag:$0x2], $0x100, $0x38;
	[tilespmem:$0x10C80] =	vst v63  }
0x21: {  	_ =	swait.ge [sflag:s10], $0x100  }
0x22: {  	[sflag:s10] =	ssyncset.done $0x0  }
0x23: {  	[sflag:s10] =	ssyncadd.s32 $0xFFFFFF00  }
.LBB2_1:
0x24: {  	[tilespmem:$0x10A00] =	vst v1  }
0x25: {  	[tilespmem:$0x10A10] =	vst v1  }
0x26: {  	[tilespmem:$0x10A20] =	vst v1  }
0x27: {  	[tilespmem:$0x10A30] =	vst v1  }
0x28: {  	[tilespmem:$0x10A40] =	vst v1  }
0x29: {  	[tilespmem:$0x10A50] =	vst v1  }
0x2a: {  	[tilespmem:$0x10A60] =	vst v1  }
0x2b: {  	[tilespmem:$0x10A70] =	vst v1;
	v10 =	vimm.f32 $-3.000000010e+38  }
0x2c: {  	[tilespmem:$0x10A80] =	vst v10  }
0x2d: {  	[tilespmem:$0x10B00] =	vst v10  }
0x2e: {  	[tilespmem:$0x10A90] =	vst v10  }
0x2f: {  	[tilespmem:$0x10B10] =	vst v10  }
0x30: {  	[tilespmem:$0x10AA0] =	vst v10  }
0x31: {  	[tilespmem:$0x10B20] =	vst v10  }
0x32: {  	[tilespmem:$0x10AB0] =	vst v10  }
0x33: {  	[tilespmem:$0x10B30] =	vst v10  }
0x34: {  	[tilespmem:$0x10AC0] =	vst v10  }
0x35: {  	[tilespmem:$0x10B40] =	vst v10  }
0x36: {  	[tilespmem:$0x10AD0] =	vst v10  }
.Ltmp2:
0x37: {  	[tilespmem:$0x10B50] =	vst v10;
	(pc) =	sbr.rel .LBB2_2-.Ltmp2, $4  }
0x38: {  	[tilespmem:$0x10AE0] =	vst v10  }
0x39: {  	v11 =	vimm.s32 $0x0;
	v12 =	vimm.f32 $-3.000000010e+38;
	[tilespmem:$0x10B60] =	vst v10  }
0x3a: {  	v13 =	vimm.f32 $-3.000000010e+38;
	v14 =	vimm.f32 $-3.000000010e+38;
	v15 =	vimm.f32 $-3.000000010e+38;
	[tilespmem:$0x10AF0] =	vst v10  }
0x3b: {  	s19 =	simm.s32 $0x0;
	s20 =	simm.s32 $0x0;
	v16 =	vimm.f32 $-3.000000010e+38;
	v17 =	vimm.f32 $-3.000000010e+38;
	v18 =	vimm.f32 $-3.000000010e+38;
	s21 =	simm.s32 $0x0;
	[tilespmem:$0x10B70] =	vst v10  }
.LBB2_7:
0x3c: {  	s21 =	sadd.s32 $0x1, s21  }
0x3d: {  	p0 =	sne.s32 s21, $0x19  }
.Ltmp3:
0x3e: {  	_ = 	snop;
	(pc) =	sbr.rel @!p0 .LBB2_8-.Ltmp3, $1  }
0x3f: {  	_ =	sdelay $0x3  }
.LBB2_2:
0x40: {  	s22 =	smul.u32 $0x190, s21;
	_ =	sdelay $0x1  }
0x41: {  	s23 =	sadd.s32 s6, s22  }
0x42: {  	s22 =	sshll.u32 s23, $0x4  }
0x43: {  	s24 =	sadd.s32 s4, s22;
	s22 =	simm.s32 $0x0  }
0x44: {  	[tilespmem:s22], [sflag:$0x2] =	stream.linear.gather [hbm4b:s24+s22], $0xC800, $0x38;
	[tilespmem:$0x10C80] =	vst v63  }
0x45: {  	_ =	swait.ge [sflag:s10], $0xC800  }
0x46: {  	s23 =	sshrl.u32 s23, $0x3;
	[sflag:s10] =	ssyncset.done $0x0  }
0x47: {  	s23 =	sadd.s32 s2, s23;
	[sflag:s10] =	ssyncadd.s32 $0xFFFF3800  }
0x48: {  	[tilespmem:s11], [sflag:$0x2] =	stream.linear.gather [hbm4b:s23+s22], $0x190, $0x38;
	[tilespmem:$0x10C80] =	vst v63  }
0x49: {  	_ =	swait.ge [sflag:s10], $0x190  }
0x4a: {  	[sflag:s10] =	ssyncset.done $0x0  }
0x4b: {  	[sflag:s10] =	ssyncadd.s32 $0xFFFFFE70  }
0x4c: {  	v19 =	vld.msk [tilespmem:s11+$0x0], $0xffff  }
.Ltmp4:
0x4d: {  	_ = 	snop;
	(pc) =	sbr.rel .LBB2_3-.Ltmp4, $3  }
0x4e: {  	_ =	sdelay $0x1  }
0x4f: {  	p0 =	seq.s32 s21, $0x0  }
0x50: {  	v27 =	vpsel p0, v19, v11  }
.LBB2_5:
0x51: {  	p0 =	seq.s32 s19, $0x0  }
0x52: {  	p2 =	sgt.f32 @!p0 s23, $0.0e+00;
	_ =	sdelay $0x1  }
0x53: {  	p1 =	por p2, p0  }
0x54: {  	v28 =	vmov @!p1 s20  }
0x55: {  	v30 =	vlaneseq.u32 @!p1;
	v29 =	vshll.u32 @!p1 v28, $0x7  }
0x56: {  	v32 =	vor.u32 @!p1 $0x10, v30;
	v31 =	vor.u32 @!p1 v30, v29  }
0x57: {  	v33 =	vor.u32 @!p1 $0x20, v30;
	v32 =	vor.u32 @!p1 v32, v29  }
0x58: {  	v34 =	vor.u32 @!p1 $0x30, v30;
	v33 =	vor.u32 @!p1 v33, v29  }
0x59: {  	v35 =	vor.u32 @!p1 $0x40, v30;
	v34 =	vor.u32 @!p1 v34, v29  }
0x5a: {  	s25 =	simm.s32 @!p1 $0xCA00;
	v36 =	vor.u32 @!p1 $0x50, v30;
	v35 =	vor.u32 @!p1 v35, v29  }
0x5b: {  	[tilespmem:v31+s25+$0x0] =	vst.idx.msk @!p1 $0xffff, v18;
	v31 =	vor.u32 @!p1 v36, v29;
	v36 =	vor.u32 @!p1 $0x60, v30  }
0x5c: {  	v30 =	vor.u32 @!p1 $0x70, v30;
	[tilespmem:v32+s25+$0x0] =	vst.idx.msk @!p1 $0xffff, v17;
	v32 =	vor.u32 @!p1 v36, v29  }
0x5d: {  	v29 =	vor.u32 @!p1 v30, v29;
	[tilespmem:v33+s25+$0x0] =	vst.idx.msk @!p1 $0xffff, v16  }
0x5e: {  	[tilespmem:v34+s25+$0x0] =	vst.idx.msk @!p1 $0xffff, v15  }
0x5f: {  	[tilespmem:v35+s25+$0x0] =	vst.idx.msk @!p1 $0xffff, v14  }
0x60: {  	[tilespmem:v31+s25+$0x0] =	vst.idx.msk @!p1 $0xffff, v13  }
0x61: {  	s24 =	simm.s32 $0x0;
	p2 =	por !p2, p0;
	[tilespmem:v32+s25+$0x0] =	vst.idx.msk @!p1 $0xffff, v12  }
0x62: {  	s24 =	simm.s32 @p2 $0x1;
	[tilespmem:v29+s25+$0x0] =	vst.idx.msk @!p1 $0xffff, v10;
	s25 =	simm.s32 @!p1 $0x10A00  }
0x63: {  	s24 =	simm.s32 @p0 $0x0;
	[tilespmem:v28+s25+$0x0] =	vst.idx.msk @!p1 $0x1, v27  }
.LBB2_6:
0x64: {  	s20 =	sadd.s32 s20, s24  }
0x65: {  	p0 =	slt.s32 s20, $0x80  }
0x66: {  	s24 =	simm.s32 @!p0 $0x80;
	s25 =	simm.s32 @!p0 $0x10A00;
	s26 =	simm.s32 @!p0 $0xCA00  }
0x67: {  	[hbm4b:s5+s24] =	stream.indirect.scatter @!p0 [tilespmem:s26], [sflag:$0x1], $0x80, s25, s24, $0xb8;
	[tilespmem:$0x10C80] =	vst v63  }
0x68: {  	s24 =	simm.s32 @!p0 $0x1  }
0x69: {  	_ =	swait.ge @!p0 [sflag:s24], $0x4000  }
0x6a: {  	[sflag:s24] =	ssyncset.done @!p0 $0x0  }
0x6b: {  	[sflag:s24] =	ssyncadd.s32 @!p0 $0xFFFFC000  }
0x6c: {  	[tilespmem:$0x10A00] =	vst @!p0 v1  }
0x6d: {  	s22 =	sadd.s32 $0x1, s22;
	[tilespmem:$0x10A10] =	vst @!p0 v1  }
0x6e: {  	v18 =	vmax.f32 v18, v25;
	v17 =	vmax.f32 v17, v26;
	p2 =	sne.s32 s22, $0x190;
	[tilespmem:$0x10A20] =	vst @!p0 v1  }
.Ltmp5:
0x6f: {  	v16 =	vmax.f32 v16, v22;
	v15 =	vmax.f32 v15, v23;
	v14 =	vmax.f32 v14, v24;
	[tilespmem:$0x10A30] =	vst @!p0 v1;
	(pc) =	sbr.rel @!p2 .LBB2_7-.Ltmp5, $4  }
0x70: {  	v13 =	vmax.f32 v13, v19;
	v12 =	vmax.f32 v12, v20;
	v10 =	vmax.f32 v10, v21;
	[tilespmem:$0x10A40] =	vst @!p0 v1  }
0x71: {  	p1 =	sgt.f32 s23, $0.0e+00;
	v27 =	vmov v11;
	v18 =	vsel vm0, v18, v25;
	v17 =	vsel vm0, v17, v26;
	[tilespmem:$0x10A50] =	vst @!p0 v1  }
0x72: {  	v16 =	vsel vm0, v16, v22;
	v15 =	vsel vm0, v15, v23;
	v14 =	vsel vm0, v14, v24;
	[tilespmem:$0x10A60] =	vst @!p0 v1  }
0x73: {  	v13 =	vsel vm0, v13, v19;
	v12 =	vsel vm0, v12, v20;
	v10 =	vsel vm0, v10, v21;
	s20 =	simm.s32 @!p0 $0x0;
	s19 =	simm.s32 @!p1 $0x1;
	[tilespmem:$0x10A70] =	vst @!p0 v1  }
.LBB2_3:
0x74: {  	v19 =	vmov s22;
	_ =	sdelay $0x4  }
0x75: {  	v11 =	vld.idx.msk [tilespmem:v19+s11+$0x0], $0xffff;
	_ =	sdelay $0x4  }
0x76: {  	vm0 =	veq.s32 v11, v27  }
0x77: {  	v20 =	vsel vm0, $0x3F800000, v9  }
0x78: {  	(xrf0) =	vmin.scan.msk.f32 $0xffff, v20;
	_ =	sdelay $0x5  }
0x79: {  	v20, _, _ =	vpop (xrf0)  }
0x7a: {  	(v2sf) =	vpush v20, $0xF;
	_ =	sdelay $0x9  }
0x7b: {  	v19 =	vshll.u32 v19, $0x7  }
0x7c: {  	v20 =	vor.u32 v0, v19  }
0x7d: {  	v21 =	vor.u32 v2, v19  }
0x7e: {  	v22 =	vor.u32 v3, v19  }
0x7f: {  	v23 =	vor.u32 v4, v19  }
0x80: {  	p0 =	sne.s32 s19, $0x0;
	v24 =	vor.u32 v5, v19;
	s23 =	spop (v2sf)  }
0x81: {  	v25 =	vld.idx.msk [tilespmem:v20+s3+$0x0], $0xffff;
	v20 =	vor.u32 v6, v19;
	p1 =	sgt.f32 @!p0 s23, $0.0e+00  }
0x82: {  	v26 =	vld.idx.msk [tilespmem:v21+s3+$0x0], $0xffff;
	v21 =	vor.u32 v7, v19  }
0x83: {  	v28 =	vor.u32 v8, v19;
	v22 =	vld.idx.msk [tilespmem:v22+s3+$0x0], $0xffff;
	p0 =	por p0, p1  }
.Ltmp6:
0x84: {  	v23 =	vld.idx.msk [tilespmem:v23+s3+$0x0], $0xffff;
	(pc) =	sbr.rel @p0 .LBB2_5-.Ltmp6, $4  }
0x85: {  	v24 =	vld.idx.msk [tilespmem:v24+s3+$0x0], $0xffff  }
0x86: {  	v19 =	vld.idx.msk [tilespmem:v20+s3+$0x0], $0xffff  }
0x87: {  	v20 =	vld.idx.msk [tilespmem:v21+s3+$0x0], $0xffff  }
0x88: {  	v21 =	vld.idx.msk [tilespmem:v28+s3+$0x0], $0xffff  }
0x89: {  	[tilespmem:$0x10A80] =	vst v18  }
0x8a: {  	[tilespmem:$0x10A90] =	vst v17  }
0x8b: {  	[tilespmem:$0x10AA0] =	vst v16  }
0x8c: {  	[tilespmem:$0x10AB0] =	vst v15  }
.Ltmp7:
0x8d: {  	[tilespmem:$0x10AC0] =	vst v14;
	(pc) =	sbr.rel .LBB2_6-.Ltmp7, $4  }
0x8e: {  	[tilespmem:$0x10AD0] =	vst v13  }
0x8f: {  	[tilespmem:$0x10AE0] =	vst v12  }
0x90: {  	[tilespmem:$0x10AF0] =	vst v10  }
0x91: {  	[tilespmem:$0x10B80] =	vst v27;
	s24 =	simm.s32 $0x0  }
.LBB2_9:
0x92: {  	_ =	sfence.sel $0x180000  }
0x93: {  	[bflag:$0x0] =	sbarrier.arrive $0xFFFF  }
0x94: {  	p0 =	sne.s32 s1, $0x0;
	_ =	strace $0x9000004A  }
0x95: {  	s0 =	sadd.s32 @!p0 $0x100000, s0;
	[bflag:$0x2] =	sbarrier.arrive $0xFFFF  }
0x96: {  	[sflag:s0] =	ssyncadd.tile.s32 @!p0 $0x1;
	_ =	shalt  }
.Lfunc_end2:
_tile_overlayer_lowered:
.L_overlay_start_2:
0x97: {  	(tag) =	ssettag $0x2  }
0x98: {  	s0 =	rddreg [dreg:$0x0];
	s2 =	stileid.u32  }
0x99: {  	s1 =	rddreg [dreg:$0x1];
	p0 =	sne.s32 s2, $0x0  }
0x9a: {  	s3 =	rddreg [dreg:$0x2];
	[bflag:$0x3] =	sbarrier.arrive $0xFFFF;
	s2 =	simm.s32 @!p0 $0x1C02  }
0x9b: {  	[timem:s3], [sflag:s2] =	dma.local @!p0 [hbm:s0], s1  }
0x9c: {  	s0 =	simm.s32 @!p0 $0x2  }
0x9d: {  	_ =	swait.ge @!p0 [sflag:s0], s1  }
0x9e: {  	s1 =	ssub.s32 @!p0 $0x0, s1;
	[sflag:s0] =	ssyncset.done @!p0 $0x0  }
0x9f: {  	[sflag:s0] =	ssyncadd.s32 @!p0 s1  }
0xa0: {  	[bflag:$0x3] =	sbarrier.arrive $0xFFFF  }
0xa1: {  	_ =	shalt  }

// kernel: closed_call.43.cloned.1.call-start
scs
__scs_entry_jumppad:
0x0: {  	(pc) =	sbr.rel $0x88, $3  }
0x1: {  	(tag) =	ssettag $0x0;
	lr =	simm.s32 $0x1  }
0x2: {  	[smem:$0x3F99] =	sst lr;
	_ =	strace $0xD0000000  }
0x3: {  	_ = 	snop  }
0x4: {  	_ = 	snop  }
0x5: {  	_ = 	snop  }
0x6: {  	_ = 	snop  }
0x7: {  	_ = 	snop  }
__scs_overlays_trampoline_lowered:
0x8: {  	[smem:$0x3FA8] =	sst s0  }
0x9: {  	[smem:$0x3FA9] =	sst s1  }
0xa: {  	[smem:$0x3FAA] =	sst s2  }
0xb: {  	[smem:$0x3FAB] =	sst s3  }
0xc: {  	[smem:$0x3FAC] =	sst s4  }
0xd: {  	[smem:$0x3FAD] =	sst s5  }
0xe: {  	[smem:$0x3FAE] =	sst s6  }
0xf: {  	[smem:$0x3FAF] =	sst s7  }
0x10: {  	[smem:$0x3FB0] =	sst s8  }
0x11: {  	[smem:$0x3FB1] =	sst s9;
	s0 =	simm.s32 @!p0 $0x0  }
0x12: {  	s1 =	sld [smem:$0x3F97];
	s0 =	simm.s32 @p0 $0x1  }
0x13: {  	[smem:$0x3FB2] =	sst s0;
	s0 =	simm.s32 @!p1 $0x0  }
0x14: {  	s2 =	sld [smem:$0x3F96];
	s0 =	simm.s32 @p1 $0x1  }
0x15: {  	[smem:$0x3FB3] =	sst s0;
	s0 =	simm.s32 @!p2 $0x0  }
0x16: {  	s3 =	sld [smem:$0x3FDB];
	s0 =	simm.s32 @p2 $0x1  }
0x17: {  	s4 =	simm.s32 $0x1BF5;
	[smem:$0x3FB5] =	sst s0  }
0x18: {  	s0 =	sld [smem:$0x3F98];
	_ =	swait.ge [sflag:s4], $0x0  }
0x19: {  	s7 =	sld [smem:$0x3F99]  }
0x1a: {  	s8 =	sadd.s32 $0xFFFFE003, lr  }
0x1b: {  	s9 =	sadd.s32 $0xFFFFFEF7, lr;
	s5 =	simm.s32 $0xFFFFFFFF;
	p2 =	slt.u32 s8, $0xFFFFF086  }
0x1c: {  	p1 =	slt.u32 s9, $0xF7A;
	s5 =	simm.s32 @!p2 $0x0  }
0x1d: {  	s5 =	simm.s32 @p1 $0x1;
	p0 =	seq.s32 s7, s2  }
0x1e: {  	s7 =	smul.u32 @!p0 $0xF7A, s2;
	p2 =	seq.s32 @!p0 s5, $0x0  }
0x1f: {  	s9 =	smul.u32 $0xF7A, s1;
	s8 =	simm.s32 @!p0 $0x1BF5;
	p2 =	por !p2, p0  }
0x20: {  	[sflag:s8] =	ssyncset.s32 @!p0 $0xFFFFF086;
	s6 =	sadd.s32 @!p0 s3, s7;
	s7 =	simm.s32 @!p0 $0x108  }
0x21: {  	s3 =	sadd.s32 s3, s9;
	s6 =	sadd.s32 @!p0 $0x88, s6;
	s7 =	simm.s32 @p2 $0x1082  }
0x22: {  	[simem:s7], [sflag:s8] =	dma.local @!p0 [hbm:s6], $0xF7A  }
0x23: {  	s9 =	sor.u32 $0xD0000000, s2;
	s6 =	simm.s32 $0x108;
	_ =	swait.ge @!p0 [sflag:s8], $0x0  }
0x24: {  	s3 =	sadd.s32 $0x88, s3;
	s6 =	simm.s32 @!p1 $0x1082;
	[sflag:s4] =	ssyncset.s32 $0xFFFFF086  }
0x25: {  	[simem:s6], [sflag:s4] =	dma.local [hbm:s3], $0xF7A  }
0x26: {  	[smem:$0x3F99] =	sst s1;
	(tag) =	ssettag s2;
	_ =	strace s9  }
0x27: {  	s1 =	sld [smem:$0x3FA9]  }
0x28: {  	s2 =	sld [smem:$0x3FAA]  }
0x29: {  	s4 =	sld [smem:$0x3FAC]  }
0x2a: {  	p0 =	seq.s32 s5, $0x0;
	s5 =	sld [smem:$0x3FAD]  }
0x2b: {  	s6 =	sld [smem:$0x3FAE]  }
0x2c: {  	s7 =	sld [smem:$0x3FAF]  }
0x2d: {  	s3 =	simm.s32 $0x108;
	s8 =	sld [smem:$0x3FB0]  }
0x2e: {  	s3 =	simm.s32 @!p0 $0x1082;
	s9 =	sld [smem:$0x3FB1]  }
0x2f: {  	lr =	sadd.s32 s0, s3;
	s0 =	sld [smem:$0x3FA8]  }
0x30: {  	s3 =	sld [smem:$0x3FAB]  }
0x31: {  	[smem:$0x3FB4] =	sst s10  }
0x32: {  	s10 =	sld [smem:$0x3FB2];
	_ =	sdelay $0x3  }
0x33: {  	p0 =	seq.s32 s10, $0x1;
	s10 =	sld [smem:$0x3FB4];
	_ =	sdelay $0x3  }
0x34: {  	[smem:$0x3FB4] =	sst s10  }
0x35: {  	s10 =	sld [smem:$0x3FB3];
	_ =	sdelay $0x3  }
0x36: {  	p1 =	seq.s32 s10, $0x1;
	s10 =	sld [smem:$0x3FB4];
	_ =	sdelay $0x3  }
0x37: {  	[smem:$0x3FB4] =	sst s10  }
0x38: {  	s10 =	sld [smem:$0x3FB5]  }
0x39: {  	_ = 	snop;
	(pc) =	sbr.ind lr, $3  }
0x3a: {  	_ = 	snop  }
0x3b: {  	_ = 	snop  }
0x3c: {  	p2 =	seq.s32 s10, $0x1;
	s10 =	sld [smem:$0x3FB4]  }
0x3d: {  	_ =	shalt  }
0x3e: {  	_ =	shalt  }
0x3f: {  	_ =	shalt  }
0x40: {  	_ =	shalt  }
0x41: {  	_ =	shalt  }
0x42: {  	_ =	shalt  }
0x43: {  	_ =	shalt  }
0x44: {  	_ =	shalt  }
0x45: {  	_ =	shalt  }
0x46: {  	_ =	shalt  }
0x47: {  	_ =	shalt  }
0x48: {  	_ =	shalt  }
0x49: {  	_ =	shalt  }
0x4a: {  	_ =	shalt  }
0x4b: {  	_ =	shalt  }
0x4c: {  	_ =	shalt  }
0x4d: {  	_ =	shalt  }
0x4e: {  	_ =	shalt  }
0x4f: {  	_ =	shalt  }
0x50: {  	_ =	shalt  }
0x51: {  	_ =	shalt  }
0x52: {  	_ =	shalt  }
0x53: {  	_ =	shalt  }
0x54: {  	_ =	shalt  }
0x55: {  	_ =	shalt  }
0x56: {  	_ =	shalt  }
0x57: {  	_ =	shalt  }
0x58: {  	_ =	shalt  }
0x59: {  	_ =	shalt  }
0x5a: {  	_ =	shalt  }
0x5b: {  	_ =	shalt  }
0x5c: {  	_ =	shalt  }
0x5d: {  	_ =	shalt  }
0x5e: {  	_ =	shalt  }
0x5f: {  	_ =	shalt  }
0x60: {  	_ =	shalt  }
0x61: {  	_ =	shalt  }
0x62: {  	_ =	shalt  }
0x63: {  	_ =	shalt  }
0x64: {  	_ =	shalt  }
0x65: {  	_ =	shalt  }
0x66: {  	_ =	shalt  }
0x67: {  	_ =	shalt  }
0x68: {  	_ =	shalt  }
0x69: {  	_ =	shalt  }
0x6a: {  	_ =	shalt  }
0x6b: {  	_ =	shalt  }
0x6c: {  	_ =	shalt  }
0x6d: {  	_ =	shalt  }
0x6e: {  	_ =	shalt  }
0x6f: {  	_ =	shalt  }
0x70: {  	_ =	shalt  }
0x71: {  	_ =	shalt  }
0x72: {  	_ =	shalt  }
0x73: {  	_ =	shalt  }
0x74: {  	_ =	shalt  }
0x75: {  	_ =	shalt  }
0x76: {  	_ =	shalt  }
0x77: {  	_ =	shalt  }
0x78: {  	_ =	shalt  }
0x79: {  	_ =	shalt  }
0x7a: {  	_ =	shalt  }
0x7b: {  	_ =	shalt  }
0x7c: {  	_ =	shalt  }
0x7d: {  	_ =	shalt  }
0x7e: {  	_ =	shalt  }
0x7f: {  	_ =	shalt  }
0x80: {  	_ =	shalt  }
0x81: {  	_ =	shalt  }
0x82: {  	_ =	shalt  }
0x83: {  	_ =	shalt  }
0x84: {  	_ =	shalt  }
0x85: {  	_ =	shalt  }
0x86: {  	_ =	shalt  }
0x87: {  	_ =	shalt  }
.Lfunc_end0:
.L_simem_size_0:
called_computation.2_lowered:
.L_overlay_start_0:
0x88: {  	s2 =	sld [smem:$0x3FD9]  }
0x89: {  	s3 =	sld [smem:$0x3FFE];
	_ =	sdelay $0x1  }
0x8a: {  	s1 =	srdreg.scid  }
0x8b: {  	s0 =	sand.u32 $0x1, s1  }
0x8c: {  	s16 =	sshll.u32 s0, $0xA;
	s2 =	sadd.s32 s3, s2  }
0x8d: {  	s2 =	sadd.s32 s2, s16  }
0x8e: {  	[smem:$0x3FC0] =	sst s2  }
0x8f: {  	_ = 	snop  }
0x90: {  	(tm) =	ssettm $0x1  }
0x91: {  	s17 =	sld [smem:$0x3FFB];
	_ =	sdelay $0x3  }
0x92: {  	_ =	strace s17  }
0x93: {  	s2 =	sld [smem:$0x3FFC];
	_ =	sdelay $0x3  }
0x94: {  	_ =	strace s2  }
0x95: {  	s2 =	sld [smem:$0x3FFD];
	_ =	sdelay $0x3  }
0x96: {  	_ =	strace s2  }
0x97: {  	_ =	strace $0x8FFFFFFF  }
0x98: {  	s18 =	sld [smem:$0x3FDB];
	_ =	sdelay $0x1  }
0x99: {  	s19 =	simm.s32 $_scs_section_size  }
0x9a: {  	s4 =	simm.s32 $_size__tile_overlayer_lowered;
	s5 =	simm.s32 $_tile_overlayer_lowered  }
0x9b: {  	s22 =	simm.s32 $0x1BFF;
	s21 =	sshll.u32 s5, $0x1;
	s2 =	sadd.s32 s19, s18  }
0x9c: {  	s6 =	simm.s32 $0x0;
	s20 =	sshll.u32 s4, $0x1;
	s4 =	sadd.s32 s21, s2  }
0x9d: {  	[timem:s6], [sflag:s22] =	dma.local [hbm:s4], s20  }
0x9e: {  	_ =	swait.ge [sflag:s22], s20  }
0x9f: {  	s3 =	ssub.s32 $0x0, s20;
	[sflag:s22] =	ssyncset.done $0x0  }
0xa0: {  	[sflag:s22] =	ssyncadd.s32 s3;
	_ =	sdelay $0x1  }
0xa1: {  	s23 =	simm.s32 $0x1B8B  }
0xa2: {  	_ =	swait.ge [sflag:s23], $0x1  }
0xa3: {  	[sflag:s23] =	ssyncset.done $0x0  }
0xa4: {  	s25 =	simm.s32 $0x1B8E;
	s24 =	sld [smem:$0x3FFE];
	[sflag:s23] =	ssyncadd.s32 $0xFFFFFFFF  }
0xa5: {  	s26 =	simm.s32 $execute0_lowered;
	[smem:$0x3FD2] =	sst s25  }
0xa6: {  	s4 =	sshll.u32 s26, $0x1;
	_ =	strace $0x8000004C;
	[dreg:$0x1] =	wrdreg $0xFFFFFFFF  }
0xa7: {  	s28 =	simm.s32 $_size_execute0_lowered;
	s2 =	sadd.s32 s2, s4;
	[dreg:$0x0] =	wrdreg $0x0  }
0xa8: {  	s4 =	sshll.u32 s28, $0x1;
	[dreg:$0x2] =	wrdreg s2  }
0xa9: {  	[dreg:$0x3] =	wrdreg s4  }
0xaa: {  	[dreg:$0x4] =	wrdreg $0xC0  }
0xab: {  	_ =	task [dreg:s6], $0x5FFFF  }
0xac: {  	[dreg:$0x1] =	wrdreg $0xFFFFFFFF  }
0xad: {  	[dreg:$0x0] =	wrdreg $0x60  }
0xae: {  	[dreg:$0x2] =	wrdreg s24  }
0xaf: {  	[dreg:$0x3] =	wrdreg $0x9  }
0xb0: {  	_ =	task.clear_ibuf [dreg:s6], $0x4FFFF;
	_ =	strace $0x9000004C  }
0xb1: {  	s29 =	simm.s32 $0x9;
	_ =	strace $0x8000004E  }
0xb2: {  	_ =	swait.ge [sflag:s29], $0x1  }
0xb3: {  	[sflag:s29] =	ssyncadd.s32 $0xFFFFFFFF  }
0xb4: {  	_ =	strace $0x9000004E  }
0xb5: {  	_ =	sfence  }
0xb6: {  	s30 =	sld [smem:$0x0];
	_ =	sdelay $0x2  }
0xb7: {  	s31 =	sshll.u32 s1, $0xD;
	s1 =	sshrl.u32 s1, $0x2  }
0xb8: {  	s3 =	sand.u32 $0x4000, s31;
	s1 =	sadd.s32 s1, s30  }
0xb9: {  	s0 =	sor.u32 s3, s0;
	s1 =	sshll.u32 s1, $0x11  }
0xba: {  	s0 =	sor.u32 s1, s0  }
0xbb: {  	s0 =	sadd.s32 $0x8F2B, s0  }
0xbc: {  	[sflag:s0] =	ssyncadd.remote.s32 $0x1  }
0xbd: {  	_ =	sfence.sel $0xFFFF  }
0xbe: {  	[dreg:$0x0] =	wrdreg $0xFFFFFFFF;
	(pc) =	sbr.abs _section_cstart, $3  }
0xbf: {  	[dreg:$0x1] =	wrdreg $0xFFFFFFFF  }
0xc0: {  	_ =	task.clear_ibuf [dreg:s6], $0x2FFFF;
	_ =	strace $0x9FFFFFFF  }
0xc1: {  	(tm) =	ssettm $0x7FFFFFFF  }
tec
execute0_lowered:
.L_overlay_start_1:
0x0: {  	(tag) =	ssettag $0x1  }
0x1: {  	s0 =	srdreg.scid  }
0x2: {  	s2 =	sand.u32 $0x1, s0;
	s0 =	stileid.u32  }
0x3: {  	s3 =	sshll.u32 s0, $0x1;
	s5 =	ssub.s32 $0x0, s2  }
0x4: {  	p0 =	sne.s32 s3, s5  }
.Ltmp0:
0x5: {  	_ = 	snop;
	(pc) =	sbr.rel @p0 .LBB2_5-.Ltmp0, $3  }
0x6: {  	_ =	sdelay $0x1  }
0x7: {  	s4 =	rddreg [dreg:$0x0]  }
0x8: {  	s1 =	rddreg [dreg:$0x1];
	_ =	strace $0x8000004D  }
0x9: {  	v0 =	vlaneseq.u32  }
0xa: {  	s5 =	ssub.s32 $0x2, s2;
	s2 =	sadd.s32 $0xCA00, s4;
	s3 =	sadd.s32 $0x5D600, s4;
	v1 =	vmul.u32 $0x80, v0;
	v9 =	vor.u32 $0x10, v0;
	v10 =	vor.u32 $0x20, v0  }
0xb: {  	s4 =	sadd.s32 $0x35400, s4;
	s7 =	simm.s32 $0x2;
	s8 =	simm.s32 $0x4000;
	v11 =	vor.u32 $0x30, v0;
	v12 =	vor.u32 $0x40, v0;
	v13 =	vor.u32 $0x50, v0  }
0xc: {  	s9 =	simm.s32 $0x80;
	s10 =	simm.s32 $0x8000;
	s6 =	sshrl.u32 s5, $0x1;
	v14 =	vor.u32 $0x60, v0;
	v15 =	vor.u32 $0x70, v0;
	v2 =	vor.u32 $0x800, v1  }
0xd: {  	s11 =	simm.s32 $0x8080;
	s12 =	simm.s32 $0x1;
	s5 =	ssub.s32 s5, s6;
	v3 =	vor.u32 $0x1000, v1;
	v4 =	vor.u32 $0x1800, v1;
	v5 =	vor.u32 $0x2000, v1  }
0xe: {  	s13 =	simm.s32 $0x0;
	s6 =	simm.s32 $0x0;
	v6 =	vor.u32 $0x2800, v1;
	s5 =	smax.u32 s5, $0x1;
	v7 =	vor.u32 $0x3000, v1;
	v8 =	vor.u32 $0x3800, v1  }
.LBB2_2:
0xf: {  	[tilespmem:s6], [sflag:$0x2] =	stream.linear.gather [hbm4b:s2+s6], $0x4000, $0x38;
	[tilespmem:$0xC080] =	vst v63  }
0x10: {  	_ =	swait.ge [sflag:s7], $0x4000  }
0x11: {  	[sflag:s7] =	ssyncset.done $0x0  }
0x12: {  	[sflag:s7] =	ssyncadd.s32 $0xFFFFC000  }
0x13: {  	[tilespmem:s8], [sflag:$0x2] =	stream.linear.gather [hbm4b:s3+s6], $0x4000, $0x38;
	[tilespmem:$0xC080] =	vst v63  }
0x14: {  	_ =	swait.ge [sflag:s7], $0x4000  }
0x15: {  	[sflag:s7] =	ssyncset.done $0x0  }
0x16: {  	[sflag:s7] =	ssyncadd.s32 $0xFFFFC000  }
0x17: {  	v16 =	vld.idx.msk [tilespmem:v1+s8+$0x0], $0xffff;
	_ =	sdelay $0x4  }
0x18: {  	[tilespmem:$0x8000] =	vst v16  }
0x19: {  	v16 =	vld.idx.msk [tilespmem:v2+s8+$0x0], $0xffff;
	_ =	sdelay $0x4  }
0x1a: {  	[tilespmem:$0x8010] =	vst v16  }
0x1b: {  	v16 =	vld.idx.msk [tilespmem:v3+s8+$0x0], $0xffff;
	_ =	sdelay $0x4  }
0x1c: {  	[tilespmem:$0x8020] =	vst v16  }
0x1d: {  	v16 =	vld.idx.msk [tilespmem:v4+s8+$0x0], $0xffff;
	_ =	sdelay $0x4  }
0x1e: {  	[tilespmem:$0x8030] =	vst v16  }
0x1f: {  	v16 =	vld.idx.msk [tilespmem:v5+s8+$0x0], $0xffff;
	_ =	sdelay $0x4  }
0x20: {  	[tilespmem:$0x8040] =	vst v16  }
0x21: {  	v16 =	vld.idx.msk [tilespmem:v6+s8+$0x0], $0xffff;
	_ =	sdelay $0x4  }
0x22: {  	[tilespmem:$0x8050] =	vst v16  }
0x23: {  	v16 =	vld.idx.msk [tilespmem:v7+s8+$0x0], $0xffff;
	_ =	sdelay $0x4  }
0x24: {  	[tilespmem:$0x8060] =	vst v16  }
0x25: {  	v16 =	vld.idx.msk [tilespmem:v8+s8+$0x0], $0xffff;
	_ =	sdelay $0x3  }
0x26: {  	s15 =	simm.s32 $0x0  }
0x27: {  	[tilespmem:$0x8070] =	vst v16;
	v16 =	vor.u32 s15, v0  }
0x28: {  	[tilespmem:s11], [sflag:$0x1] =	stream.indirect.gather [hbm4b:s4+s9], $0x80, s10, s9, $0xb8;
	[tilespmem:$0xC080] =	vst v63  }
0x29: {  	_ =	swait.ge [sflag:s12], $0x4000  }
0x2a: {  	[sflag:s12] =	ssyncset.done $0x0  }
0x2b: {  	[sflag:s12] =	ssyncadd.s32 $0xFFFFC000  }
0x2c: {  	v17 =	vld.idx.msk [tilespmem:v16+s6+$0x0], $0xffff  }
0x2d: {  	v18 =	vld.idx.msk [tilespmem:v16+s11+$0x0], $0xffff;
	_ =	sdelay $0x1  }
0x2e: {  	v19 =	vor.u32 s15, v9;
	_ =	sdelay $0x2  }
0x2f: {  	v17 =	vmax.f32 v17, v18  }
0x30: {  	[tilespmem:v16+s6+$0x0] =	vst.idx.msk $0xffff, v17  }
0x31: {  	v16 =	vld.idx.msk [tilespmem:v19+s6+$0x0], $0xffff  }
0x32: {  	v17 =	vld.idx.msk [tilespmem:v19+s11+$0x0], $0xffff;
	_ =	sdelay $0x1  }
0x33: {  	v18 =	vor.u32 s15, v10;
	_ =	sdelay $0x2  }
0x34: {  	v16 =	vmax.f32 v16, v17  }
0x35: {  	[tilespmem:v19+s6+$0x0] =	vst.idx.msk $0xffff, v16  }
0x36: {  	v16 =	vld.idx.msk [tilespmem:v18+s6+$0x0], $0xffff  }
0x37: {  	v17 =	vld.idx.msk [tilespmem:v18+s11+$0x0], $0xffff;
	_ =	sdelay $0x1  }
0x38: {  	v19 =	vor.u32 s15, v11;
	_ =	sdelay $0x2  }
0x39: {  	v16 =	vmax.f32 v16, v17  }
0x3a: {  	[tilespmem:v18+s6+$0x0] =	vst.idx.msk $0xffff, v16  }
0x3b: {  	v16 =	vld.idx.msk [tilespmem:v19+s6+$0x0], $0xffff  }
0x3c: {  	v17 =	vld.idx.msk [tilespmem:v19+s11+$0x0], $0xffff;
	_ =	sdelay $0x1  }
0x3d: {  	v18 =	vor.u32 s15, v12;
	_ =	sdelay $0x2  }
0x3e: {  	v16 =	vmax.f32 v16, v17  }
0x3f: {  	[tilespmem:v19+s6+$0x0] =	vst.idx.msk $0xffff, v16  }
0x40: {  	v16 =	vld.idx.msk [tilespmem:v18+s6+$0x0], $0xffff  }
0x41: {  	v17 =	vld.idx.msk [tilespmem:v18+s11+$0x0], $0xffff;
	_ =	sdelay $0x1  }
0x42: {  	v19 =	vor.u32 s15, v13;
	_ =	sdelay $0x2  }
0x43: {  	v16 =	vmax.f32 v16, v17  }
0x44: {  	[tilespmem:v18+s6+$0x0] =	vst.idx.msk $0xffff, v16  }
0x45: {  	v16 =	vld.idx.msk [tilespmem:v19+s6+$0x0], $0xffff  }
0x46: {  	v17 =	vld.idx.msk [tilespmem:v19+s11+$0x0], $0xffff;
	_ =	sdelay $0x1  }
0x47: {  	v18 =	vor.u32 s15, v14;
	_ =	sdelay $0x2  }
0x48: {  	v16 =	vmax.f32 v16, v17  }
0x49: {  	[tilespmem:v19+s6+$0x0] =	vst.idx.msk $0xffff, v16  }
0x4a: {  	v16 =	vld.idx.msk [tilespmem:v18+s6+$0x0], $0xffff  }
0x4b: {  	v17 =	vld.idx.msk [tilespmem:v18+s11+$0x0], $0xffff;
	_ =	sdelay $0x4  }
0x4c: {  	v17 =	vmax.f32 v16, v17;
	v16 =	vor.u32 s15, v15;
	_ =	sdelay $0x3  }
0x4d: {  	s14 =	simm.s32 $0x1;
	[tilespmem:v18+s6+$0x0] =	vst.idx.msk $0xffff, v17  }
.LBB2_3:
0x4e: {  	p0 =	sne.s32 s14, $0x7F;
	v17 =	vld.idx.msk [tilespmem:v16+s6+$0x0], $0xffff;
	s15 =	smov.u32 s14;
	s14 =	sadd.s32 $0x1, s14  }
0x4f: {  	v18 =	vld.idx.msk [tilespmem:v16+s11+$0x0], $0xffff;
	_ =	sdelay $0x1  }
0x50: {  	s15 =	sshll.u32 s15, $0x7  }
0x51: {  	v19 =	vor.u32 s15, v0;
	_ =	sdelay $0x2  }
0x52: {  	v17 =	vmax.f32 v17, v18  }
0x53: {  	[tilespmem:v16+s6+$0x0] =	vst.idx.msk $0xffff, v17  }
0x54: {  	v16 =	vld.idx.msk [tilespmem:v19+s6+$0x0], $0xffff  }
0x55: {  	v17 =	vld.idx.msk [tilespmem:v19+s11+$0x0], $0xffff;
	_ =	sdelay $0x2  }
0x56: {  	v18 =	vor.u32 s15, v9;
	_ =	sdelay $0x2  }
0x57: {  	v16 =	vmax.f32 v16, v17  }
0x58: {  	[tilespmem:v19+s6+$0x0] =	vst.idx.msk $0xffff, v16  }
0x59: {  	v16 =	vld.idx.msk [tilespmem:v18+s6+$0x0], $0xffff  }
0x5a: {  	v17 =	vld.idx.msk [tilespmem:v18+s11+$0x0], $0xffff;
	_ =	sdelay $0x2  }
0x5b: {  	v19 =	vor.u32 s15, v10;
	_ =	sdelay $0x2  }
0x5c: {  	v16 =	vmax.f32 v16, v17  }
0x5d: {  	[tilespmem:v18+s6+$0x0] =	vst.idx.msk $0xffff, v16  }
0x5e: {  	v16 =	vld.idx.msk [tilespmem:v19+s6+$0x0], $0xffff  }
0x5f: {  	v17 =	vld.idx.msk [tilespmem:v19+s11+$0x0], $0xffff;
	_ =	sdelay $0x2  }
0x60: {  	v18 =	vor.u32 s15, v11;
	_ =	sdelay $0x2  }
0x61: {  	v16 =	vmax.f32 v16, v17  }
0x62: {  	[tilespmem:v19+s6+$0x0] =	vst.idx.msk $0xffff, v16  }
0x63: {  	v16 =	vld.idx.msk [tilespmem:v18+s6+$0x0], $0xffff  }
0x64: {  	v17 =	vld.idx.msk [tilespmem:v18+s11+$0x0], $0xffff;
	_ =	sdelay $0x2  }
0x65: {  	v19 =	vor.u32 s15, v12;
	_ =	sdelay $0x2  }
0x66: {  	v16 =	vmax.f32 v16, v17  }
0x67: {  	[tilespmem:v18+s6+$0x0] =	vst.idx.msk $0xffff, v16  }
0x68: {  	v16 =	vld.idx.msk [tilespmem:v19+s6+$0x0], $0xffff  }
0x69: {  	v17 =	vld.idx.msk [tilespmem:v19+s11+$0x0], $0xffff;
	_ =	sdelay $0x2  }
0x6a: {  	v18 =	vor.u32 s15, v13;
	_ =	sdelay $0x2  }
0x6b: {  	v16 =	vmax.f32 v16, v17  }
0x6c: {  	[tilespmem:v19+s6+$0x0] =	vst.idx.msk $0xffff, v16  }
0x6d: {  	v16 =	vld.idx.msk [tilespmem:v18+s6+$0x0], $0xffff  }
0x6e: {  	v17 =	vld.idx.msk [tilespmem:v18+s11+$0x0], $0xffff;
	_ =	sdelay $0x2  }
0x6f: {  	v19 =	vor.u32 s15, v14;
	_ =	sdelay $0x2  }
0x70: {  	v16 =	vmax.f32 v16, v17  }
0x71: {  	[tilespmem:v18+s6+$0x0] =	vst.idx.msk $0xffff, v16  }
0x72: {  	v17 =	vld.idx.msk [tilespmem:v19+s6+$0x0], $0xffff  }
0x73: {  	v18 =	vld.idx.msk [tilespmem:v19+s11+$0x0], $0xffff;
	_ =	sdelay $0x2  }
.Ltmp1:
0x74: {  	v16 =	vor.u32 s15, v15;
	(pc) =	sbr.rel @p0 .LBB2_3-.Ltmp1, $3  }
0x75: {  	_ =	sdelay $0x1  }
0x76: {  	v17 =	vmax.f32 v17, v18  }
0x77: {  	[tilespmem:v19+s6+$0x0] =	vst.idx.msk $0xffff, v17  }
0x78: {  	_ =	sdelay $0x3  }
0x79: {  	v17 =	vld.idx.msk [tilespmem:v16+s6+$0x0], $0xffff  }
0x7a: {  	v18 =	vld.idx.msk [tilespmem:v16+s11+$0x0], $0xffff;
	_ =	sdelay $0x3  }
0x7b: {  	s13 =	sadd.s32 $0x1, s13  }
0x7c: {  	p0 =	sne.s32 s13, s5;
	v17 =	vmax.f32 v17, v18  }
.Ltmp2:
0x7d: {  	[tilespmem:v16+s6+$0x0] =	vst.idx.msk $0xffff, v17;
	(pc) =	sbr.rel @p0 .LBB2_2-.Ltmp2, $4  }
0x7e: {  	[hbm4b:s4+s9] =	stream.indirect.scatter [tilespmem:s6], [sflag:$0x1], $0x80, s10, s9, $0xb8;
	[tilespmem:$0xC080] =	vst v63  }
0x7f: {  	_ =	swait.ge [sflag:s12], $0x4000  }
0x80: {  	[sflag:s12] =	ssyncset.done $0x0  }
0x81: {  	[sflag:s12] =	ssyncadd.s32 $0xFFFFC000  }
.LBB2_5:
0x82: {  	_ =	sfence.sel $0x180000  }
0x83: {  	[bflag:$0x0] =	sbarrier.arrive $0xFFFF  }
0x84: {  	p0 =	sne.s32 s0, $0x0;
	_ =	strace $0x9000004D  }
0x85: {  	s0 =	sadd.s32 @!p0 $0x100000, s1;
	[bflag:$0x2] =	sbarrier.arrive $0xFFFF  }
0x86: {  	[sflag:s0] =	ssyncadd.tile.s32 @!p0 $0x1;
	_ =	shalt  }
.Lfunc_end2:
_tile_overlayer_lowered:
.L_overlay_start_2:
0x87: {  	(tag) =	ssettag $0x2  }
0x88: {  	s0 =	rddreg [dreg:$0x0];
	s2 =	stileid.u32  }
0x89: {  	s1 =	rddreg [dreg:$0x1];
	p0 =	sne.s32 s2, $0x0  }
0x8a: {  	s3 =	rddreg [dreg:$0x2];
	[bflag:$0x3] =	sbarrier.arrive $0xFFFF;
	s2 =	simm.s32 @!p0 $0x1C02  }
0x8b: {  	[timem:s3], [sflag:s2] =	dma.local @!p0 [hbm:s0], s1  }
0x8c: {  	s0 =	simm.s32 @!p0 $0x2  }
0x8d: {  	_ =	swait.ge @!p0 [sflag:s0], s1  }
0x8e: {  	s1 =	ssub.s32 @!p0 $0x0, s1;
	[sflag:s0] =	ssyncset.done @!p0 $0x0  }
0x8f: {  	[sflag:s0] =	ssyncadd.s32 @!p0 s1  }
0x90: {  	[bflag:$0x3] =	sbarrier.arrive $0xFFFF  }
0x91: {  	_ =	shalt  }

</sc_bundles>
